<compile_context>
chip_gen: v7x
topology: tpu7x:2x2x1
jax: 0.10.2.dev20260603
libtpu: 0.0.44.dev20260713+nightly
codegen_flags: <defaults>
</compile_context>

<pallas_src>
import functools

import jax
import jax.numpy as jnp
from jax import lax
from jax.experimental import pallas as pl
from jax.experimental.pallas import tpu as pltpu
from jax.experimental.pallas import tpu_sc as plsc

N = 10000
E = 320000
D = 128
H = 128
HH = H // 2
C = 10
G = 16

NC = 2
NS = 16
NW = NC * NS
EW = E // NW
CHUNK = 125
NCHUNK = EW // CHUNK
NBUF = 4
RW = 624
RTAIL = N - NS * RW
ZROWS = 208

BM = 400
NBLK = N // BM



@functools.lru_cache(maxsize=None)
def _sc_mesh():
    return plsc.VectorSubcoreMesh(core_axis_name="c", subcore_axis_name="s",
                                  num_cores=NC, num_subcores=NS)


@functools.lru_cache(maxsize=None)
def _build_deg_kernel():
    return functools.partial(
        pl.kernel,
        out_type=jax.ShapeDtypeStruct((NW, N), jnp.float32),
        mesh=_sc_mesh(),
        scratch_types=[
            pltpu.VMEM((N,), jnp.float32),
            pltpu.VMEM((EW,), jnp.int32),
        ],
        compiler_params=pltpu.CompilerParams(needs_layout_passes=False),
    )(_deg_body)


def _deg_body(dst_hbm, out_hbm, degbuf, dbuf):
    c = lax.axis_index("c")
    s = lax.axis_index("s")
    w = c * NS + s

    def zero_body(i, carry):
        degbuf[pl.ds(i * 16, 16)] = jnp.zeros((16,), jnp.float32)
        return carry

    lax.fori_loop(0, N // 16, zero_body, 0)

    pltpu.sync_copy(dst_hbm.at[pl.ds(w * EW, EW)], dbuf)

    ones = jnp.ones((16,), jnp.float32)

    def scat_body(i, carry):
        idx = dbuf[pl.ds(i * 16, 16)]
        plsc.addupdate_scatter(degbuf, [idx], ones)
        return carry

    lax.fori_loop(0, EW // 16, scat_body, 0)

    pltpu.sync_copy(degbuf, out_hbm.at[w])


@functools.lru_cache(maxsize=None)
def _build_scatter_kernel():
    return functools.partial(
        pl.kernel,
        out_type=[jax.ShapeDtypeStruct((2 * N, HH), jnp.float32),
                  jax.ShapeDtypeStruct((2 * N, HH), jnp.float32)],
        mesh=_sc_mesh(),
        scratch_types=[
            pltpu.VMEM((NCHUNK, CHUNK), jnp.int32),
            pltpu.VMEM((NCHUNK, CHUNK), jnp.int32),
            [pltpu.VMEM((CHUNK, HH), jnp.float32)] * NBUF,
            pltpu.VMEM((ZROWS, HH), jnp.float32),
            pltpu.VMEM_SHARED((N, HH), jnp.float32),
            [pltpu.SemaphoreType.DMA] * NBUF,
            [pltpu.SemaphoreType.DMA] * NBUF,
        ],
        compiler_params=pltpu.CompilerParams(use_tc_tiling_on_sc=False),
    )(_scatter_body)


def _scatter_body(ylo_hbm, yhi_hbm, src_hbm, dst_hbm, outlo_hbm, outhi_hbm,
                  srci, dsti, bufs, zbuf, agg_sh, gsems, ssems):
    c = lax.axis_index("c")
    s = lax.axis_index("s")
    w = c * NS + s

    def zb_body(i, carry):
        for j in range(HH // 16):
            zbuf[i, pl.ds(j * 16, 16)] = jnp.zeros((16,), jnp.float32)
        return carry

    lax.fori_loop(0, ZROWS, zb_body, 0)
    pltpu.sync_copy(src_hbm.at[w], srci)
    pltpu.sync_copy(dst_hbm.at[w], dsti)

    for y_hbm, out_hbm in ((ylo_hbm, outlo_hbm), (yhi_hbm, outhi_hbm)):
        for r in range(RW // ZROWS):
            pltpu.sync_copy(zbuf, agg_sh.at[pl.ds(s * RW + r * ZROWS, ZROWS)])

        @pl.when(s == NS - 1)
        def _():
            pltpu.sync_copy(zbuf.at[pl.ds(0, RTAIL)],
                            agg_sh.at[pl.ds(NS * RW, RTAIL)])

        plsc.subcore_barrier()

        def gather(ch, j):
            pltpu.async_copy(y_hbm.at[srci.at[ch]], bufs[j], gsems[j])

        def gwait(ch, j):
            pltpu.make_async_copy(
                y_hbm.at[srci.at[ch]], bufs[j], gsems[j]).wait()

        def scat(ch, j):
            pltpu.async_copy(bufs[j], agg_sh.at[dsti.at[ch]], ssems[j],
                             add=True)

        def swait(ch, j):
            pltpu.make_async_copy(
                bufs[j], agg_sh.at[dsti.at[ch]], ssems[j]).wait()

        for j in range(NBUF):
            gather(j, j)

        def quad_body(t, carry):
            c0 = NBUF * t
            for j in range(NBUF):
                gwait(c0 + j, j)
                scat(c0 + j, j)
            for j in range(NBUF):
                swait(c0 + j, j)
                gather(c0 + NBUF + j, j)
            return carry

        lax.fori_loop(0, NCHUNK // NBUF - 1, quad_body, 0)
        c0 = NCHUNK - NBUF
        for j in range(NBUF):
            gwait(c0 + j, j)
            scat(c0 + j, j)
        for j in range(NBUF):
            swait(c0 + j, j)

        plsc.subcore_barrier()

        pltpu.sync_copy(agg_sh.at[pl.ds(s * RW, RW)],
                        out_hbm.at[pl.ds(c * N + s * RW, RW)])

        @pl.when(s == NS - 1)
        def _():
            pltpu.sync_copy(agg_sh.at[pl.ds(NS * RW, RTAIL)],
                            out_hbm.at[pl.ds(c * N + NS * RW, RTAIL)])



def _dinv_body(parts_ref, out_ref):
    out_ref[...] = lax.rsqrt(
        jnp.sum(parts_ref[...], axis=0, keepdims=True) + 1.0)


def _mm_scale_body(x_ref, w_ref, dinv_ref, ylo_ref, yhi_ref):
    res = jnp.dot(x_ref[...], w_ref[...],
                  preferred_element_type=jnp.float32) * dinv_ref[...]
    ylo_ref[...] = res[:, :HH]
    yhi_ref[...] = res[:, HH:]


def _layer_body(alo0_ref, alo1_ref, ahi0_ref, ahi1_ref, ylo_ref, yhi_ref,
                dinv_ref, b_ref, w_ref, rf_ref, sf_ref, olo_ref, ohi_ref):
    dv = dinv_ref[...]
    b = b_ref[...]
    h_lo = dv * (alo0_ref[...] + alo1_ref[...] + ylo_ref[...]) + b[:, :HH]
    h_hi = dv * (ahi0_ref[...] + ahi1_ref[...] + yhi_ref[...]) + b[:, HH:]
    h = jnp.concatenate([h_lo, h_hi], axis=1)
    h = jnp.where(rf_ref[0, 0] > 0, jnp.maximum(h, 0.0), h)
    res = jnp.dot(h, w_ref[...], preferred_element_type=jnp.float32)
    res = res * jnp.where(sf_ref[0, 0] > 0, dv, jnp.ones_like(dv))
    olo_ref[...] = res[:, :HH]
    ohi_ref[...] = res[:, HH:]


def _pool_body(ylo_ref, yhi_ref, batch_ref, fw1_ref, fb1_ref,
               fw2_ref, fb2_ref, out_ref, sums, cnt):
    i = pl.program_id(0)

    @pl.when(i == 0)
    def _():
        sums[...] = jnp.zeros_like(sums)
        cnt[...] = jnp.zeros_like(cnt)

    h = jnp.concatenate([ylo_ref[...], yhi_ref[...]], axis=1)
    bb = batch_ref[0]
    gids = lax.broadcasted_iota(jnp.int32, (G, BM), 0)
    mask = (bb == gids).astype(jnp.float32)
    sums[...] += jnp.dot(mask, h, preferred_element_type=jnp.float32)
    cnt[...] += jnp.sum(mask, axis=1, keepdims=True)

    @pl.when(i == NBLK - 1)
    def _():
        g = sums[...] / jnp.maximum(cnt[...], 1.0)
        g1 = jnp.dot(g, fw1_ref[...],
                     preferred_element_type=jnp.float32) + fb1_ref[...]
        g1 = jnp.maximum(g1, 0.0)
        out_ref[...] = jnp.dot(g1, fw2_ref[...],
                               preferred_element_type=jnp.float32) + fb2_ref[...]


def _row_block(i):
    return (i, 0)


def kernel(x, edge_index, batch, W1, b1, W2, b2, W3, b3, fW1, fb1, fW2, fb2):
    src = edge_index[0]
    dst = edge_index[1]
    src3 = src.reshape(NW, NCHUNK, CHUNK)
    dst3 = dst.reshape(NW, NCHUNK, CHUNK)

    _deg_kernel = _build_deg_kernel()
    _scatter_kernel = _build_scatter_kernel()

    deg_parts = _deg_kernel(dst)
    dinv_row = pl.pallas_call(
        _dinv_body,
        out_shape=jax.ShapeDtypeStruct((1, N), jnp.float32),
    )(deg_parts)
    dinv_col = dinv_row.reshape(N, 1)

    spec_half = pl.BlockSpec((BM, HH), _row_block)
    spec_dinv = pl.BlockSpec((BM, 1), _row_block)
    spec_a0 = pl.BlockSpec((BM, HH), _row_block)
    spec_a1 = pl.BlockSpec((BM, HH), lambda i: (i + NBLK, 0))
    spec_row1 = pl.BlockSpec((1, H), lambda i: (0, 0))
    spec_w = pl.BlockSpec((H, H), lambda i: (0, 0))
    spec_flag = pl.BlockSpec((1, 1), lambda i: (0, 0))

    y1_lo, y1_hi = pl.pallas_call(
        _mm_scale_body,
        grid=(NBLK,),
        in_specs=[pl.BlockSpec((BM, D), _row_block), spec_w, spec_dinv],
        out_specs=[spec_half, spec_half],
        out_shape=[jax.ShapeDtypeStruct((N, HH), jnp.float32),
                   jax.ShapeDtypeStruct((N, HH), jnp.float32)],
    )(x, W1, dinv_col)

    def tc_layer(agg_lo, agg_hi, y_lo, y_hi, b2d, W, rf, sf):
        return pl.pallas_call(
            _layer_body,
            grid=(NBLK,),
            in_specs=[spec_a0, spec_a1, spec_a0, spec_a1,
                      spec_half, spec_half, spec_dinv,
                      spec_row1, spec_w, spec_flag, spec_flag],
            out_specs=[spec_half, spec_half],
            out_shape=[jax.ShapeDtypeStruct((N, HH), jnp.float32),
                       jax.ShapeDtypeStruct((N, HH), jnp.float32)],
        )(agg_lo, agg_lo, agg_hi, agg_hi, y_lo, y_hi, dinv_col,
          b2d, W, rf, sf)

    Ws = jnp.stack([W2, W3, jnp.eye(H, dtype=jnp.float32)])
    bs = jnp.stack([b1.reshape(1, H), b2.reshape(1, H), b3.reshape(1, H)])
    rfs = jnp.array([1.0, 1.0, 0.0], jnp.float32).reshape(3, 1, 1)
    sfs = jnp.array([1.0, 1.0, 0.0], jnp.float32).reshape(3, 1, 1)

    def scan_body(carry, xs):
        y_lo, y_hi = carry
        W, b2d, rf, sf = xs
        agg_lo, agg_hi = _scatter_kernel(y_lo, y_hi, src3, dst3)
        ny = tc_layer(agg_lo, agg_hi, y_lo, y_hi, b2d, W, rf, sf)
        return (ny[0], ny[1]), None

    (h3_lo, h3_hi), _ = lax.scan(scan_body, (y1_lo, y1_hi),
                                 (Ws, bs, rfs, sfs))

    out = pl.pallas_call(
        _pool_body,
        grid=(NBLK,),
        in_specs=[spec_half, spec_half,
                  pl.BlockSpec((1, 1, BM), lambda i: (i, 0, 0)),
                  spec_w,
                  spec_row1,
                  pl.BlockSpec((H, C), lambda i: (0, 0)),
                  pl.BlockSpec((1, C), lambda i: (0, 0))],
        out_specs=pl.BlockSpec((G, C), lambda i: (0, 0)),
        out_shape=jax.ShapeDtypeStruct((G, C), jnp.float32),
        scratch_shapes=[pltpu.VMEM((G, H), jnp.float32),
                        pltpu.VMEM((G, 1), jnp.float32)],
    )(h3_lo, h3_hi, batch.reshape(NBLK, 1, BM),
      fW1, fb1.reshape(1, H), fW2, fb2.reshape(1, C))
    return out

# --- scband reference (transcript-rebuilt; emitter-appended) ---
"""Pipeline reference for scband-tumor-gcnclassifier-22230750724496 (READ-ONLY COPY).

The authoritative reference and input builder live on the scoring server;
editing this copy changes nothing except your own understanding.
"""

import jax, jax.numpy as jnp
import numpy as np

N = 10000
E = 320000
D = 128
H = 128
C = 10
G = 16


def setup_inputs(seed: int = 0) -> dict:
    key = jax.random.key(seed)
    ks = jax.random.split(key, 14)
    x = jax.random.normal(ks[0], (N, D), dtype=jnp.float32)
    edge_index = jax.random.randint(ks[1], (2, E), 0, N, dtype=jnp.int32)
    batch = jnp.sort(jax.random.randint(ks[2], (N,), 0, G, dtype=jnp.int32))
    s = 0.05
    W1 = jax.random.normal(ks[3], (D, H), dtype=jnp.float32) * s
    b1 = jnp.zeros((H,), dtype=jnp.float32)
    W2 = jax.random.normal(ks[4], (H, H), dtype=jnp.float32) * s
    b2 = jnp.zeros((H,), dtype=jnp.float32)
    W3 = jax.random.normal(ks[5], (H, H), dtype=jnp.float32) * s
    b3 = jnp.zeros((H,), dtype=jnp.float32)
    fW1 = jax.random.normal(ks[6], (H, H), dtype=jnp.float32) * s
    fb1 = jnp.zeros((H,), dtype=jnp.float32)
    fW2 = jax.random.normal(ks[7], (H, C), dtype=jnp.float32) * s
    fb2 = jnp.zeros((C,), dtype=jnp.float32)
    return {"x": x, "edge_index": edge_index, "batch": batch,
            "W1": W1, "b1": b1, "W2": W2, "b2": b2, "W3": W3, "b3": b3,
            "fW1": fW1, "fb1": fb1, "fW2": fW2, "fb2": fb2}


def _gcn_conv(x, edge_index, W, b):
    # GCNConv with self-loops and symmetric normalization:
    # out = D^{-1/2} (A + I) D^{-1/2} X W + b
    src = edge_index[0]
    dst = edge_index[1]
    loop = jnp.arange(N, dtype=src.dtype)
    s = jnp.concatenate([src, loop])
    d = jnp.concatenate([dst, loop])
    deg = jax.ops.segment_sum(jnp.ones_like(d, dtype=jnp.float32), d, num_segments=N)
    dinv = jnp.where(deg > 0, jax.lax.rsqrt(jnp.maximum(deg, 1e-12)), 0.0)
    norm = dinv[s] * dinv[d]
    xw = x @ W
    msg = xw[s] * norm[:, None]
    out = jax.ops.segment_sum(msg, d, num_segments=N)
    return out + b


def _global_mean_pool(h, batch):
    sums = jax.ops.segment_sum(h, batch, num_segments=G)
    cnt = jax.ops.segment_sum(jnp.ones((h.shape[0],), dtype=jnp.float32), batch, num_segments=G)
    return sums / jnp.maximum(cnt, 1.0)[:, None]


def reference(x, edge_index, batch, W1, b1, W2, b2, W3, b3, fW1, fb1, fW2, fb2):
    h = jax.nn.relu(_gcn_conv(x, edge_index, W1, b1))
    h = jax.nn.relu(_gcn_conv(h, edge_index, W2, b2))
    h = _gcn_conv(h, edge_index, W3, b3)
    g = _global_mean_pool(h, batch)
    g = jax.nn.relu(g @ fW1 + fb1)
    out = g @ fW2 + fb2
    return out

if __name__ == "__main__":
    import jax
    _d = setup_inputs()
    print(jax.jit(kernel)(*tuple(_d.values())))

</pallas_src>

<mosaic_0001>
#map = affine_map<(d0, d1) -> (0)>
#map1 = affine_map<(d0, d1) -> (0, 0)>
module attributes {stable_mosaic.version = 14 : i64} {
  func.func @_deg_body(%arg0: i32, %arg1: i32, %arg2: memref<320000xi32, #tpu.memory_space<hbm>>, %arg3: memref<32x10000xf32, #tpu.memory_space<hbm>>, %arg4: memref<10000xf32, #tpu.memory_space<vmem>>, %arg5: memref<10000xi32, #tpu.memory_space<vmem>>) attributes {dimension_semantics = [#tpu.dimension_semantics<core_parallel>, #tpu.dimension_semantics<subcore_parallel>], iteration_bounds = array<i64: 2, 16>, scalar_prefetch = 0 : i64, scratch_operands = 2 : i64, tpu.core_type = #tpu.core_type<sc_vector_subcore>, window_params = [{transform_indices = #map}, {transform_indices = #map1}]} {
    %mul3A = arith.constant 16 : i32
    %mul3A_0 = arith.muli %arg0, %mul3A : i32
    %add3A = arith.addi %mul3A_0, %arg1 : i32
    %scan3A = arith.constant 0 : i32
    %scan3A_1 = arith.constant 0 : i32
    %scan3A_2 = arith.constant 625 : i32
    %scan3A_3 = arith.addi %scan3A_1, %scan3A_2 : i32
    %scan3A_4 = arith.constant 1 : i32
    scf.for %scan3A_15 = %scan3A_1 to %scan3A_3 step %scan3A_4  : i32 {
      %broadcast_in_dim3A_16 = arith.constant 0.000000e+00 : f32
      %broadcast_in_dim3A_17 = vector.broadcast %broadcast_in_dim3A_16 : f32 to vector<16xf32>
      %mul3A_18 = arith.constant 16 : i32
      %mul3A_19 = arith.muli %scan3A_15, %mul3A_18 : i32
      %swap3A = arith.index_cast %mul3A_19 : i32 to index
      %swap3A_20 = tpu.vector_load %arg4[%swap3A] {strides = array<i32>} : memref<10000xf32, #tpu.memory_space<vmem>>, vector<16xf32>,
      tpu.vector_store %arg4[%swap3A], %broadcast_in_dim3A_17 {strides = array<i32>} : memref<10000xf32, #tpu.memory_space<vmem>>, vector<16xf32>,
    }
    %scan3A_5 = arith.constant 625 : i32
    %mul3A_6 = arith.constant 10000 : i32
    %mul3A_7 = arith.muli %add3A, %mul3A_6 : i32
    "tpu.region"() ({
      %run_scoped3A = tpu.sem_alloc : memref<!tpu.dma_semaphore, #tpu.memory_space<semaphore_mem>>
      %dma_start3A = tpu.memref_slice %arg2[%mul3A_7] : memref<320000xi32, #tpu.memory_space<hbm>> -> memref<10000xi32, #tpu.memory_space<hbm>>
      %dma_start3A_15 = tpu.memref_slice %arg2[%mul3A_7] : memref<320000xi32, #tpu.memory_space<hbm>> -> memref<10000xi32, #tpu.memory_space<hbm>>
      tpu.enqueue_dma source(%dma_start3A_15 : memref<10000xi32, #tpu.memory_space<hbm>>) target(%arg5 : memref<10000xi32, #tpu.memory_space<vmem>>) target_semaphore(%run_scoped3A : memref<!tpu.dma_semaphore, #tpu.memory_space<semaphore_mem>>)
      %dma_wait3A = tpu.memref_slice %arg2[%mul3A_7] : memref<320000xi32, #tpu.memory_space<hbm>> -> memref<10000xi32, #tpu.memory_space<hbm>>
      %dma_wait3A_16 = tpu.memref_slice %arg2[%mul3A_7] : memref<320000xi32, #tpu.memory_space<hbm>> -> memref<10000xi32, #tpu.memory_space<hbm>>
      tpu.wait_dma2 semaphore(%run_scoped3A : memref<!tpu.dma_semaphore, #tpu.memory_space<semaphore_mem>>) src(%dma_wait3A_16 : memref<10000xi32, #tpu.memory_space<hbm>>) dst(%arg5 : memref<10000xi32, #tpu.memory_space<vmem>>)
      tpu.yield
    }) : () -> ()
    %broadcast_in_dim3A = arith.constant 1.000000e+00 : f32
    %broadcast_in_dim3A_8 = vector.broadcast %broadcast_in_dim3A : f32 to vector<16xf32>
    %scan3A_9 = arith.constant 0 : i32
    %scan3A_10 = arith.constant 0 : i32
    %scan3A_11 = arith.constant 625 : i32
    %scan3A_12 = arith.addi %scan3A_10, %scan3A_11 : i32
    %scan3A_13 = arith.constant 1 : i32
    scf.for %scan3A_15 = %scan3A_10 to %scan3A_12 step %scan3A_13  : i32 {
      %mul3A_16 = arith.constant 16 : i32
      %mul3A_17 = arith.muli %scan3A_15, %mul3A_16 : i32
      %get3A = arith.index_cast %mul3A_17 : i32 to index
      %get3A_18 = tpu.vector_load %arg5[%get3A] {strides = array<i32>} : memref<10000xi32, #tpu.memory_space<vmem>>, vector<16xi32>,
      tpu.vector_store_idx %arg4[%get3A_18], %broadcast_in_dim3A_8 {add = true} : memref<10000xf32, #tpu.memory_space<vmem>>[vector<16xi32>], vector<16xf32>,
    }
    %scan3A_14 = arith.constant 625 : i32
    "tpu.region"() ({
      %run_scoped3A = tpu.sem_alloc : memref<!tpu.dma_semaphore, #tpu.memory_space<semaphore_mem>>
      %dma_start3A = arith.constant 0 : i32
      %dma_start3A_15 = tpu.memref_slice %arg3[%add3A, %dma_start3A] : memref<32x10000xf32, #tpu.memory_space<hbm>> -> memref<1x10000xf32, #tpu.memory_space<hbm>>
      %dma_start3A_16 = tpu.memref_squeeze %dma_start3A_15 : memref<1x10000xf32, #tpu.memory_space<hbm>> -> memref<10000xf32, #tpu.memory_space<hbm>>
      %dma_start3A_17 = arith.constant 0 : i32
      %dma_start3A_18 = tpu.memref_slice %arg3[%add3A, %dma_start3A_17] : memref<32x10000xf32, #tpu.memory_space<hbm>> -> memref<1x10000xf32, #tpu.memory_space<hbm>>
      %dma_start3A_19 = tpu.memref_squeeze %dma_start3A_18 : memref<1x10000xf32, #tpu.memory_space<hbm>> -> memref<10000xf32, #tpu.memory_space<hbm>>
      tpu.enqueue_dma source(%arg4 : memref<10000xf32, #tpu.memory_space<vmem>>) target(%dma_start3A_19 : memref<10000xf32, #tpu.memory_space<hbm>>) target_semaphore(%run_scoped3A : memref<!tpu.dma_semaphore, #tpu.memory_space<semaphore_mem>>)
      %dma_wait3A = arith.constant 0 : i32
      %dma_wait3A_20 = tpu.memref_slice %arg3[%add3A, %dma_wait3A] : memref<32x10000xf32, #tpu.memory_space<hbm>> -> memref<1x10000xf32, #tpu.memory_space<hbm>>
      %dma_wait3A_21 = tpu.memref_squeeze %dma_wait3A_20 : memref<1x10000xf32, #tpu.memory_space<hbm>> -> memref<10000xf32, #tpu.memory_space<hbm>>
      %dma_wait3A_22 = arith.constant 0 : i32
      %dma_wait3A_23 = tpu.memref_slice %arg3[%add3A, %dma_wait3A_22] : memref<32x10000xf32, #tpu.memory_space<hbm>> -> memref<1x10000xf32, #tpu.memory_space<hbm>>
      %dma_wait3A_24 = tpu.memref_squeeze %dma_wait3A_23 : memref<1x10000xf32, #tpu.memory_space<hbm>> -> memref<10000xf32, #tpu.memory_space<hbm>>
      tpu.wait_dma2 semaphore(%run_scoped3A : memref<!tpu.dma_semaphore, #tpu.memory_space<semaphore_mem>>) src(%arg4 : memref<10000xf32, #tpu.memory_space<vmem>>) dst(%dma_wait3A_24 : memref<10000xf32, #tpu.memory_space<hbm>>)
      tpu.yield
    }) : () -> ()
    return
  }
}

#map = affine_map<(d0, d1) -> (0, 0)>
#map1 = affine_map<(d0, d1) -> (0, 0, 0)>
module attributes {stable_mosaic.version = 14 : i64} {
  func.func @_scatter_body(%arg0: i32, %arg1: i32, %arg2: memref<10000x64xf32, #tpu.memory_space<hbm>>, %arg3: memref<10000x64xf32, #tpu.memory_space<hbm>>, %arg4: memref<32x80x125xi32, #tpu.memory_space<hbm>>, %arg5: memref<32x80x125xi32, #tpu.memory_space<hbm>>, %arg6: memref<20000x64xf32, #tpu.memory_space<hbm>>, %arg7: memref<20000x64xf32, #tpu.memory_space<hbm>>, %arg8: memref<80x125xi32, #tpu.memory_space<vmem>>, %arg9: memref<80x125xi32, #tpu.memory_space<vmem>>, %arg10: memref<125x64xf32, #tpu.memory_space<vmem>>, %arg11: memref<125x64xf32, #tpu.memory_space<vmem>>, %arg12: memref<125x64xf32, #tpu.memory_space<vmem>>, %arg13: memref<125x64xf32, #tpu.memory_space<vmem>>, %arg14: memref<208x64xf32, #tpu.memory_space<vmem>>, %arg15: memref<10000x64xf32, #tpu.memory_space<vmem_shared>>, %arg16: memref<!tpu.dma_semaphore, #tpu.memory_space<semaphore_mem>>, %arg17: memref<!tpu.dma_semaphore, #tpu.memory_space<semaphore_mem>>, %arg18: memref<!tpu.dma_semaphore, #tpu.memory_space<semaphore_mem>>, %arg19: memref<!tpu.dma_semaphore, #tpu.memory_space<semaphore_mem>>, %arg20: memref<!tpu.dma_semaphore, #tpu.memory_space<semaphore_mem>>, %arg21: memref<!tpu.dma_semaphore, #tpu.memory_space<semaphore_mem>>, %arg22: memref<!tpu.dma_semaphore, #tpu.memory_space<semaphore_mem>>, %arg23: memref<!tpu.dma_semaphore, #tpu.memory_space<semaphore_mem>>) attributes {dimension_semantics = [#tpu.dimension_semantics<core_parallel>, #tpu.dimension_semantics<subcore_parallel>], iteration_bounds = array<i64: 2, 16>, scalar_prefetch = 0 : i64, scratch_operands = 16 : i64, tpu.core_type = #tpu.core_type<sc_vector_subcore>, window_params = [{transform_indices = #map}, {transform_indices = #map}, {transform_indices = #map1}, {transform_indices = #map1}, {transform_indices = #map}, {transform_indices = #map}]} {
    %mul3A = arith.constant 16 : i32
    %mul3A_0 = arith.muli %arg0, %mul3A : i32
    %add3A = arith.addi %mul3A_0, %arg1 : i32
    %scan3A = arith.constant 0 : i32
    %scan3A_1 = arith.constant 0 : i32
    %scan3A_2 = arith.constant 208 : i32
    %scan3A_3 = arith.addi %scan3A_1, %scan3A_2 : i32
    %scan3A_4 = arith.constant 1 : i32
    scf.for %scan3A_298 = %scan3A_1 to %scan3A_3 step %scan3A_4  : i32 {
      %broadcast_in_dim3A = arith.constant 0.000000e+00 : f32
      %broadcast_in_dim3A_299 = vector.broadcast %broadcast_in_dim3A : f32 to vector<16xf32>
      %swap3A = arith.index_cast %scan3A_298 : i32 to index
      %swap3A_300 = arith.constant 0 : index
      %swap3A_301 = tpu.vector_load %arg14[%swap3A, %swap3A_300] {strides = array<i32>} : memref<208x64xf32, #tpu.memory_space<vmem>>, vector<1x16xf32>,
      %swap3A_302 = vector.shape_cast %swap3A_301 : vector<1x16xf32> to vector<16xf32>
      %swap3A_303 = vector.shape_cast %broadcast_in_dim3A_299 : vector<16xf32> to vector<1x16xf32>
      tpu.vector_store %arg14[%swap3A, %swap3A_300], %swap3A_303 {strides = array<i32>} : memref<208x64xf32, #tpu.memory_space<vmem>>, vector<1x16xf32>,
      %broadcast_in_dim3A_304 = arith.constant 0.000000e+00 : f32
      %broadcast_in_dim3A_305 = vector.broadcast %broadcast_in_dim3A_304 : f32 to vector<16xf32>
      %swap3A_306 = arith.index_cast %scan3A_298 : i32 to index
      %swap3A_307 = arith.constant 16 : index
      %swap3A_308 = tpu.vector_load %arg14[%swap3A_306, %swap3A_307] {strides = array<i32>} : memref<208x64xf32, #tpu.memory_space<vmem>>, vector<1x16xf32>,
      %swap3A_309 = vector.shape_cast %swap3A_308 : vector<1x16xf32> to vector<16xf32>
      %swap3A_310 = vector.shape_cast %broadcast_in_dim3A_305 : vector<16xf32> to vector<1x16xf32>
      tpu.vector_store %arg14[%swap3A_306, %swap3A_307], %swap3A_310 {strides = array<i32>} : memref<208x64xf32, #tpu.memory_space<vmem>>, vector<1x16xf32>,
      %broadcast_in_dim3A_311 = arith.constant 0.000000e+00 : f32
      %broadcast_in_dim3A_312 = vector.broadcast %broadcast_in_dim3A_311 : f32 to vector<16xf32>
      %swap3A_313 = arith.index_cast %scan3A_298 : i32 to index
      %swap3A_314 = arith.constant 32 : index
      %swap3A_315 = tpu.vector_load %arg14[%swap3A_313, %swap3A_314] {strides = array<i32>} : memref<208x64xf32, #tpu.memory_space<vmem>>, vector<1x16xf32>,
      %swap3A_316 = vector.shape_cast %swap3A_315 : vector<1x16xf32> to vector<16xf32>
      %swap3A_317 = vector.shape_cast %broadcast_in_dim3A_312 : vector<16xf32> to vector<1x16xf32>
      tpu.vector_store %arg14[%swap3A_313, %swap3A_314], %swap3A_317 {strides = array<i32>} : memref<208x64xf32, #tpu.memory_space<vmem>>, vector<1x16xf32>,
      %broadcast_in_dim3A_318 = arith.constant 0.000000e+00 : f32
      %broadcast_in_dim3A_319 = vector.broadcast %broadcast_in_dim3A_318 : f32 to vector<16xf32>
      %swap3A_320 = arith.index_cast %scan3A_298 : i32 to index
      %swap3A_321 = arith.constant 48 : index
      %swap3A_322 = tpu.vector_load %arg14[%swap3A_320, %swap3A_321] {strides = array<i32>} : memref<208x64xf32, #tpu.memory_space<vmem>>, vector<1x16xf32>,
      %swap3A_323 = vector.shape_cast %swap3A_322 : vector<1x16xf32> to vector<16xf32>
      %swap3A_324 = vector.shape_cast %broadcast_in_dim3A_319 : vector<16xf32> to vector<1x16xf32>
      tpu.vector_store %arg14[%swap3A_320, %swap3A_321], %swap3A_324 {strides = array<i32>} : memref<208x64xf32, #tpu.memory_space<vmem>>, vector<1x16xf32>,
    }
    %scan3A_5 = arith.constant 208 : i32
    "tpu.region"() ({
      %run_scoped3A = tpu.sem_alloc : memref<!tpu.dma_semaphore, #tpu.memory_space<semaphore_mem>>
      %dma_start3A_298 = arith.constant 0 : i32
      %dma_start3A_299 = arith.constant 0 : i32
      %dma_start3A_300 = tpu.memref_slice %arg4[%add3A, %dma_start3A_298, %dma_start3A_299] : memref<32x80x125xi32, #tpu.memory_space<hbm>> -> memref<1x80x125xi32, #tpu.memory_space<hbm>>
      %dma_start3A_301 = tpu.memref_squeeze %dma_start3A_300 : memref<1x80x125xi32, #tpu.memory_space<hbm>> -> memref<80x125xi32, #tpu.memory_space<hbm>>
      %dma_start3A_302 = arith.constant 0 : i32
      %dma_start3A_303 = arith.constant 0 : i32
      %dma_start3A_304 = tpu.memref_slice %arg4[%add3A, %dma_start3A_302, %dma_start3A_303] : memref<32x80x125xi32, #tpu.memory_space<hbm>> -> memref<1x80x125xi32, #tpu.memory_space<hbm>>
      %dma_start3A_305 = tpu.memref_squeeze %dma_start3A_304 : memref<1x80x125xi32, #tpu.memory_space<hbm>> -> memref<80x125xi32, #tpu.memory_space<hbm>>
      tpu.enqueue_dma source(%dma_start3A_305 : memref<80x125xi32, #tpu.memory_space<hbm>>) target(%arg8 : memref<80x125xi32, #tpu.memory_space<vmem>>) target_semaphore(%run_scoped3A : memref<!tpu.dma_semaphore, #tpu.memory_space<semaphore_mem>>)
      %dma_wait3A_306 = arith.constant 0 : i32
      %dma_wait3A_307 = arith.constant 0 : i32
      %dma_wait3A_308 = tpu.memref_slice %arg4[%add3A, %dma_wait3A_306, %dma_wait3A_307] : memref<32x80x125xi32, #tpu.memory_space<hbm>> -> memref<1x80x125xi32, #tpu.memory_space<hbm>>
      %dma_wait3A_309 = tpu.memref_squeeze %dma_wait3A_308 : memref<1x80x125xi32, #tpu.memory_space<hbm>> -> memref<80x125xi32, #tpu.memory_space<hbm>>
      %dma_wait3A_310 = arith.constant 0 : i32
      %dma_wait3A_311 = arith.constant 0 : i32
      %dma_wait3A_312 = tpu.memref_slice %arg4[%add3A, %dma_wait3A_310, %dma_wait3A_311] : memref<32x80x125xi32, #tpu.memory_space<hbm>> -> memref<1x80x125xi32, #tpu.memory_space<hbm>>
      %dma_wait3A_313 = tpu.memref_squeeze %dma_wait3A_312 : memref<1x80x125xi32, #tpu.memory_space<hbm>> -> memref<80x125xi32, #tpu.memory_space<hbm>>
      tpu.wait_dma2 semaphore(%run_scoped3A : memref<!tpu.dma_semaphore, #tpu.memory_space<semaphore_mem>>) src(%dma_wait3A_313 : memref<80x125xi32, #tpu.memory_space<hbm>>) dst(%arg8 : memref<80x125xi32, #tpu.memory_space<vmem>>)
      tpu.yield
    }) : () -> ()
    "tpu.region"() ({
      %run_scoped3A = tpu.sem_alloc : memref<!tpu.dma_semaphore, #tpu.memory_space<semaphore_mem>>
      %dma_start3A_298 = arith.constant 0 : i32
      %dma_start3A_299 = arith.constant 0 : i32
      %dma_start3A_300 = tpu.memref_slice %arg5[%add3A, %dma_start3A_298, %dma_start3A_299] : memref<32x80x125xi32, #tpu.memory_space<hbm>> -> memref<1x80x125xi32, #tpu.memory_space<hbm>>
      %dma_start3A_301 = tpu.memref_squeeze %dma_start3A_300 : memref<1x80x125xi32, #tpu.memory_space<hbm>> -> memref<80x125xi32, #tpu.memory_space<hbm>>
      %dma_start3A_302 = arith.constant 0 : i32
      %dma_start3A_303 = arith.constant 0 : i32
      %dma_start3A_304 = tpu.memref_slice %arg5[%add3A, %dma_start3A_302, %dma_start3A_303] : memref<32x80x125xi32, #tpu.memory_space<hbm>> -> memref<1x80x125xi32, #tpu.memory_space<hbm>>
      %dma_start3A_305 = tpu.memref_squeeze %dma_start3A_304 : memref<1x80x125xi32, #tpu.memory_space<hbm>> -> memref<80x125xi32, #tpu.memory_space<hbm>>
      tpu.enqueue_dma source(%dma_start3A_305 : memref<80x125xi32, #tpu.memory_space<hbm>>) target(%arg9 : memref<80x125xi32, #tpu.memory_space<vmem>>) target_semaphore(%run_scoped3A : memref<!tpu.dma_semaphore, #tpu.memory_space<semaphore_mem>>)
      %dma_wait3A_306 = arith.constant 0 : i32
      %dma_wait3A_307 = arith.constant 0 : i32
      %dma_wait3A_308 = tpu.memref_slice %arg5[%add3A, %dma_wait3A_306, %dma_wait3A_307] : memref<32x80x125xi32, #tpu.memory_space<hbm>> -> memref<1x80x125xi32, #tpu.memory_space<hbm>>
      %dma_wait3A_309 = tpu.memref_squeeze %dma_wait3A_308 : memref<1x80x125xi32, #tpu.memory_space<hbm>> -> memref<80x125xi32, #tpu.memory_space<hbm>>
      %dma_wait3A_310 = arith.constant 0 : i32
      %dma_wait3A_311 = arith.constant 0 : i32
      %dma_wait3A_312 = tpu.memref_slice %arg5[%add3A, %dma_wait3A_310, %dma_wait3A_311] : memref<32x80x125xi32, #tpu.memory_space<hbm>> -> memref<1x80x125xi32, #tpu.memory_space<hbm>>
      %dma_wait3A_313 = tpu.memref_squeeze %dma_wait3A_312 : memref<1x80x125xi32, #tpu.memory_space<hbm>> -> memref<80x125xi32, #tpu.memory_space<hbm>>
      tpu.wait_dma2 semaphore(%run_scoped3A : memref<!tpu.dma_semaphore, #tpu.memory_space<semaphore_mem>>) src(%dma_wait3A_313 : memref<80x125xi32, #tpu.memory_space<hbm>>) dst(%arg9 : memref<80x125xi32, #tpu.memory_space<vmem>>)
      tpu.yield
    }) : () -> ()
    %mul3A_6 = arith.constant 624 : i32
    %mul3A_7 = arith.muli %arg1, %mul3A_6 : i32
    %add3A_8 = arith.constant 0 : i32
    %add3A_9 = arith.addi %mul3A_7, %add3A_8 : i32
    "tpu.region"() ({
      %run_scoped3A = tpu.sem_alloc : memref<!tpu.dma_semaphore, #tpu.memory_space<semaphore_mem>>
      %dma_start3A_298 = arith.constant 0 : i32
      %dma_start3A_299 = tpu.memref_slice %arg15[%add3A_9, %dma_start3A_298] : memref<10000x64xf32, #tpu.memory_space<vmem_shared>> -> memref<208x64xf32, #tpu.memory_space<vmem_shared>>
      %dma_start3A_300 = arith.constant 0 : i32
      %dma_start3A_301 = tpu.memref_slice %arg15[%add3A_9, %dma_start3A_300] : memref<10000x64xf32, #tpu.memory_space<vmem_shared>> -> memref<208x64xf32, #tpu.memory_space<vmem_shared>>
      tpu.enqueue_dma source(%arg14 : memref<208x64xf32, #tpu.memory_space<vmem>>) target(%dma_start3A_301 : memref<208x64xf32, #tpu.memory_space<vmem_shared>>) target_semaphore(%run_scoped3A : memref<!tpu.dma_semaphore, #tpu.memory_space<semaphore_mem>>)
      %dma_wait3A_302 = arith.constant 0 : i32
      %dma_wait3A_303 = tpu.memref_slice %arg15[%add3A_9, %dma_wait3A_302] : memref<10000x64xf32, #tpu.memory_space<vmem_shared>> -> memref<208x64xf32, #tpu.memory_space<vmem_shared>>
      %dma_wait3A_304 = arith.constant 0 : i32
      %dma_wait3A_305 = tpu.memref_slice %arg15[%add3A_9, %dma_wait3A_304] : memref<10000x64xf32, #tpu.memory_space<vmem_shared>> -> memref<208x64xf32, #tpu.memory_space<vmem_shared>>
      tpu.wait_dma2 semaphore(%run_scoped3A : memref<!tpu.dma_semaphore, #tpu.memory_space<semaphore_mem>>) src(%arg14 : memref<208x64xf32, #tpu.memory_space<vmem>>) dst(%dma_wait3A_305 : memref<208x64xf32, #tpu.memory_space<vmem_shared>>)
      tpu.yield
    }) : () -> ()
    %mul3A_10 = arith.constant 624 : i32
    %mul3A_11 = arith.muli %arg1, %mul3A_10 : i32
    %add3A_12 = arith.constant 208 : i32
    %add3A_13 = arith.addi %mul3A_11, %add3A_12 : i32
    "tpu.region"() ({
      %run_scoped3A = tpu.sem_alloc : memref<!tpu.dma_semaphore, #tpu.memory_space<semaphore_mem>>
      %dma_start3A_298 = arith.constant 0 : i32
      %dma_start3A_299 = tpu.memref_slice %arg15[%add3A_13, %dma_start3A_298] : memref<10000x64xf32, #tpu.memory_space<vmem_shared>> -> memref<208x64xf32, #tpu.memory_space<vmem_shared>>
      %dma_start3A_300 = arith.constant 0 : i32
      %dma_start3A_301 = tpu.memref_slice %arg15[%add3A_13, %dma_start3A_300] : memref<10000x64xf32, #tpu.memory_space<vmem_shared>> -> memref<208x64xf32, #tpu.memory_space<vmem_shared>>
      tpu.enqueue_dma source(%arg14 : memref<208x64xf32, #tpu.memory_space<vmem>>) target(%dma_start3A_301 : memref<208x64xf32, #tpu.memory_space<vmem_shared>>) target_semaphore(%run_scoped3A : memref<!tpu.dma_semaphore, #tpu.memory_space<semaphore_mem>>)
      %dma_wait3A_302 = arith.constant 0 : i32
      %dma_wait3A_303 = tpu.memref_slice %arg15[%add3A_13, %dma_wait3A_302] : memref<10000x64xf32, #tpu.memory_space<vmem_shared>> -> memref<208x64xf32, #tpu.memory_space<vmem_shared>>
      %dma_wait3A_304 = arith.constant 0 : i32
      %dma_wait3A_305 = tpu.memref_slice %arg15[%add3A_13, %dma_wait3A_304] : memref<10000x64xf32, #tpu.memory_space<vmem_shared>> -> memref<208x64xf32, #tpu.memory_space<vmem_shared>>
      tpu.wait_dma2 semaphore(%run_scoped3A : memref<!tpu.dma_semaphore, #tpu.memory_space<semaphore_mem>>) src(%arg14 : memref<208x64xf32, #tpu.memory_space<vmem>>) dst(%dma_wait3A_305 : memref<208x64xf32, #tpu.memory_space<vmem_shared>>)
      tpu.yield
    }) : () -> ()
    %mul3A_14 = arith.constant 624 : i32
    %mul3A_15 = arith.muli %arg1, %mul3A_14 : i32
    %add3A_16 = arith.constant 416 : i32
    %add3A_17 = arith.addi %mul3A_15, %add3A_16 : i32
    "tpu.region"() ({
      %run_scoped3A = tpu.sem_alloc : memref<!tpu.dma_semaphore, #tpu.memory_space<semaphore_mem>>
      %dma_start3A_298 = arith.constant 0 : i32
      %dma_start3A_299 = tpu.memref_slice %arg15[%add3A_17, %dma_start3A_298] : memref<10000x64xf32, #tpu.memory_space<vmem_shared>> -> memref<208x64xf32, #tpu.memory_space<vmem_shared>>
      %dma_start3A_300 = arith.constant 0 : i32
      %dma_start3A_301 = tpu.memref_slice %arg15[%add3A_17, %dma_start3A_300] : memref<10000x64xf32, #tpu.memory_space<vmem_shared>> -> memref<208x64xf32, #tpu.memory_space<vmem_shared>>
      tpu.enqueue_dma source(%arg14 : memref<208x64xf32, #tpu.memory_space<vmem>>) target(%dma_start3A_301 : memref<208x64xf32, #tpu.memory_space<vmem_shared>>) target_semaphore(%run_scoped3A : memref<!tpu.dma_semaphore, #tpu.memory_space<semaphore_mem>>)
      %dma_wait3A_302 = arith.constant 0 : i32
      %dma_wait3A_303 = tpu.memref_slice %arg15[%add3A_17, %dma_wait3A_302] : memref<10000x64xf32, #tpu.memory_space<vmem_shared>> -> memref<208x64xf32, #tpu.memory_space<vmem_shared>>
      %dma_wait3A_304 = arith.constant 0 : i32
      %dma_wait3A_305 = tpu.memref_slice %arg15[%add3A_17, %dma_wait3A_304] : memref<10000x64xf32, #tpu.memory_space<vmem_shared>> -> memref<208x64xf32, #tpu.memory_space<vmem_shared>>
      tpu.wait_dma2 semaphore(%run_scoped3A : memref<!tpu.dma_semaphore, #tpu.memory_space<semaphore_mem>>) src(%arg14 : memref<208x64xf32, #tpu.memory_space<vmem>>) dst(%dma_wait3A_305 : memref<208x64xf32, #tpu.memory_space<vmem_shared>>)
      tpu.yield
    }) : () -> ()
    %eq3A = arith.constant 15 : i32
    %eq3A_18 = arith.cmpi eq, %arg1, %eq3A : i32
    %convert_element_type3A = arith.extui %eq3A_18 : i1 to i32
    %cond3A = arith.constant 0 : i32
    %cond3A_19 = arith.cmpi ne, %convert_element_type3A, %cond3A : i32
    scf.if %cond3A_19 {
      "tpu.region"() ({
        %run_scoped3A = tpu.sem_alloc : memref<!tpu.dma_semaphore, #tpu.memory_space<semaphore_mem>>
        %dma_start3A_298 = arith.constant 0 : i32
        %dma_start3A_299 = arith.constant 0 : i32
        %dma_start3A_300 = tpu.memref_slice %arg14[%dma_start3A_298, %dma_start3A_299] : memref<208x64xf32, #tpu.memory_space<vmem>> -> memref<16x64xf32, #tpu.memory_space<vmem>>
        %dma_start3A_301 = arith.constant 9984 : i32
        %dma_start3A_302 = arith.constant 0 : i32
        %dma_start3A_303 = tpu.memref_slice %arg15[%dma_start3A_301, %dma_start3A_302] : memref<10000x64xf32, #tpu.memory_space<vmem_shared>> -> memref<16x64xf32, #tpu.memory_space<vmem_shared>>
        %dma_start3A_304 = arith.constant 9984 : i32
        %dma_start3A_305 = arith.constant 0 : i32
        %dma_start3A_306 = tpu.memref_slice %arg15[%dma_start3A_304, %dma_start3A_305] : memref<10000x64xf32, #tpu.memory_space<vmem_shared>> -> memref<16x64xf32, #tpu.memory_space<vmem_shared>>
        %dma_start3A_307 = arith.constant 0 : i32
        %dma_start3A_308 = arith.constant 0 : i32
        %dma_start3A_309 = tpu.memref_slice %arg14[%dma_start3A_307, %dma_start3A_308] : memref<208x64xf32, #tpu.memory_space<vmem>> -> memref<16x64xf32, #tpu.memory_space<vmem>>
        tpu.enqueue_dma source(%dma_start3A_309 : memref<16x64xf32, #tpu.memory_space<vmem>>) target(%dma_start3A_306 : memref<16x64xf32, #tpu.memory_space<vmem_shared>>) target_semaphore(%run_scoped3A : memref<!tpu.dma_semaphore, #tpu.memory_space<semaphore_mem>>)
        %dma_wait3A_310 = arith.constant 0 : i32
        %dma_wait3A_311 = arith.constant 0 : i32
        %dma_wait3A_312 = tpu.memref_slice %arg14[%dma_wait3A_310, %dma_wait3A_311] : memref<208x64xf32, #tpu.memory_space<vmem>> -> memref<16x64xf32, #tpu.memory_space<vmem>>
        %dma_wait3A_313 = arith.constant 9984 : i32
        %dma_wait3A_314 = arith.constant 0 : i32
        %dma_wait3A_315 = tpu.memref_slice %arg15[%dma_wait3A_313, %dma_wait3A_314] : memref<10000x64xf32, #tpu.memory_space<vmem_shared>> -> memref<16x64xf32, #tpu.memory_space<vmem_shared>>
        %dma_wait3A_316 = arith.constant 9984 : i32
        %dma_wait3A_317 = arith.constant 0 : i32
        %dma_wait3A_318 = tpu.memref_slice %arg15[%dma_wait3A_316, %dma_wait3A_317] : memref<10000x64xf32, #tpu.memory_space<vmem_shared>> -> memref<16x64xf32, #tpu.memory_space<vmem_shared>>
        %dma_wait3A_319 = arith.constant 0 : i32
        %dma_wait3A_320 = arith.constant 0 : i32
        %dma_wait3A_321 = tpu.memref_slice %arg14[%dma_wait3A_319, %dma_wait3A_320] : memref<208x64xf32, #tpu.memory_space<vmem>> -> memref<16x64xf32, #tpu.memory_space<vmem>>
        tpu.wait_dma2 semaphore(%run_scoped3A : memref<!tpu.dma_semaphore, #tpu.memory_space<semaphore_mem>>) src(%dma_wait3A_321 : memref<16x64xf32, #tpu.memory_space<vmem>>) dst(%dma_wait3A_318 : memref<16x64xf32, #tpu.memory_space<vmem_shared>>)
        tpu.yield
      }) : () -> ()
    } else {
    }
    %barrier3A = arith.constant 0 : index
    tpu.barrier barrier_id(%barrier3A)
    %dma_start3A = arith.constant 0 : i32
    %dma_start3A_20 = arith.constant 0 : i32
    %dma_start3A_21 = tpu.memref_slice %arg8[%dma_start3A, %dma_start3A_20] : memref<80x125xi32, #tpu.memory_space<vmem>> -> memref<1x125xi32, #tpu.memory_space<vmem>>
    %dma_start3A_22 = tpu.memref_squeeze %dma_start3A_21 : memref<1x125xi32, #tpu.memory_space<vmem>> -> memref<125xi32, #tpu.memory_space<vmem>>
    %dma_start3A_23 = arith.constant 0 : i32
    %dma_start3A_24 = arith.constant 0 : i32
    %dma_start3A_25 = tpu.memref_slice %arg2[%dma_start3A_23, %dma_start3A_24] : memref<10000x64xf32, #tpu.memory_space<hbm>> -> memref<10000x64xf32, #tpu.memory_space<hbm>>
    tpu.enqueue_indirect_dma source(%dma_start3A_25 : memref<10000x64xf32, #tpu.memory_space<hbm>>) target(%arg10 : memref<125x64xf32, #tpu.memory_space<vmem>>) offsets(%dma_start3A_22 : memref<125xi32, #tpu.memory_space<vmem>>) semaphore(%arg16 : memref<!tpu.dma_semaphore, #tpu.memory_space<semaphore_mem>>)
    %dma_start3A_26 = arith.constant 1 : i32
    %dma_start3A_27 = arith.constant 0 : i32
    %dma_start3A_28 = tpu.memref_slice %arg8[%dma_start3A_26, %dma_start3A_27] : memref<80x125xi32, #tpu.memory_space<vmem>> -> memref<1x125xi32, #tpu.memory_space<vmem>>
    %dma_start3A_29 = tpu.memref_squeeze %dma_start3A_28 : memref<1x125xi32, #tpu.memory_space<vmem>> -> memref<125xi32, #tpu.memory_space<vmem>>
    %dma_start3A_30 = arith.constant 0 : i32
    %dma_start3A_31 = arith.constant 0 : i32
    %dma_start3A_32 = tpu.memref_slice %arg2[%dma_start3A_30, %dma_start3A_31] : memref<10000x64xf32, #tpu.memory_space<hbm>> -> memref<10000x64xf32, #tpu.memory_space<hbm>>
    tpu.enqueue_indirect_dma source(%dma_start3A_32 : memref<10000x64xf32, #tpu.memory_space<hbm>>) target(%arg11 : memref<125x64xf32, #tpu.memory_space<vmem>>) offsets(%dma_start3A_29 : memref<125xi32, #tpu.memory_space<vmem>>) semaphore(%arg17 : memref<!tpu.dma_semaphore, #tpu.memory_space<semaphore_mem>>)
    %dma_start3A_33 = arith.constant 2 : i32
    %dma_start3A_34 = arith.constant 0 : i32
    %dma_start3A_35 = tpu.memref_slice %arg8[%dma_start3A_33, %dma_start3A_34] : memref<80x125xi32, #tpu.memory_space<vmem>> -> memref<1x125xi32, #tpu.memory_space<vmem>>
    %dma_start3A_36 = tpu.memref_squeeze %dma_start3A_35 : memref<1x125xi32, #tpu.memory_space<vmem>> -> memref<125xi32, #tpu.memory_space<vmem>>
    %dma_start3A_37 = arith.constant 0 : i32
    %dma_start3A_38 = arith.constant 0 : i32
    %dma_start3A_39 = tpu.memref_slice %arg2[%dma_start3A_37, %dma_start3A_38] : memref<10000x64xf32, #tpu.memory_space<hbm>> -> memref<10000x64xf32, #tpu.memory_space<hbm>>
    tpu.enqueue_indirect_dma source(%dma_start3A_39 : memref<10000x64xf32, #tpu.memory_space<hbm>>) target(%arg12 : memref<125x64xf32, #tpu.memory_space<vmem>>) offsets(%dma_start3A_36 : memref<125xi32, #tpu.memory_space<vmem>>) semaphore(%arg18 : memref<!tpu.dma_semaphore, #tpu.memory_space<semaphore_mem>>)
    %dma_start3A_40 = arith.constant 3 : i32
    %dma_start3A_41 = arith.constant 0 : i32
    %dma_start3A_42 = tpu.memref_slice %arg8[%dma_start3A_40, %dma_start3A_41] : memref<80x125xi32, #tpu.memory_space<vmem>> -> memref<1x125xi32, #tpu.memory_space<vmem>>
    %dma_start3A_43 = tpu.memref_squeeze %dma_start3A_42 : memref<1x125xi32, #tpu.memory_space<vmem>> -> memref<125xi32, #tpu.memory_space<vmem>>
    %dma_start3A_44 = arith.constant 0 : i32
    %dma_start3A_45 = arith.constant 0 : i32
    %dma_start3A_46 = tpu.memref_slice %arg2[%dma_start3A_44, %dma_start3A_45] : memref<10000x64xf32, #tpu.memory_space<hbm>> -> memref<10000x64xf32, #tpu.memory_space<hbm>>
    tpu.enqueue_indirect_dma source(%dma_start3A_46 : memref<10000x64xf32, #tpu.memory_space<hbm>>) target(%arg13 : memref<125x64xf32, #tpu.memory_space<vmem>>) offsets(%dma_start3A_43 : memref<125xi32, #tpu.memory_space<vmem>>) semaphore(%arg19 : memref<!tpu.dma_semaphore, #tpu.memory_space<semaphore_mem>>)
    %scan3A_47 = arith.constant 0 : i32
    %scan3A_48 = arith.constant 0 : i32
    %scan3A_49 = arith.constant 19 : i32
    %scan3A_50 = arith.addi %scan3A_48, %scan3A_49 : i32
    %scan3A_51 = arith.constant 1 : i32
    scf.for %scan3A_298 = %scan3A_48 to %scan3A_50 step %scan3A_51  : i32 {
      %mul3A_299 = arith.constant 4 : i32
      %mul3A_300 = arith.muli %mul3A_299, %scan3A_298 : i32
      %add3A_301 = arith.constant 0 : i32
      %add3A_302 = arith.addi %mul3A_300, %add3A_301 : i32
      %dma_wait3A_303 = arith.constant 0 : i32
      %dma_wait3A_304 = tpu.memref_slice %arg8[%add3A_302, %dma_wait3A_303] : memref<80x125xi32, #tpu.memory_space<vmem>> -> memref<1x125xi32, #tpu.memory_space<vmem>>
      %dma_wait3A_305 = tpu.memref_squeeze %dma_wait3A_304 : memref<1x125xi32, #tpu.memory_space<vmem>> -> memref<125xi32, #tpu.memory_space<vmem>>
      %dma_wait3A_306 = arith.constant 0 : i32
      %dma_wait3A_307 = arith.constant 0 : i32
      %dma_wait3A_308 = tpu.memref_slice %arg2[%dma_wait3A_306, %dma_wait3A_307] : memref<10000x64xf32, #tpu.memory_space<hbm>> -> memref<10000x64xf32, #tpu.memory_space<hbm>>
      tpu.wait_indirect_dma semaphore(%arg16 : memref<!tpu.dma_semaphore, #tpu.memory_space<semaphore_mem>>) src(%dma_wait3A_308 : memref<10000x64xf32, #tpu.memory_space<hbm>>) dst(%arg10 : memref<125x64xf32, #tpu.memory_space<vmem>>)
      %add3A_309 = arith.constant 0 : i32
      %add3A_310 = arith.addi %mul3A_300, %add3A_309 : i32
      %dma_start3A_311 = arith.constant 0 : i32
      %dma_start3A_312 = tpu.memref_slice %arg9[%add3A_310, %dma_start3A_311] : memref<80x125xi32, #tpu.memory_space<vmem>> -> memref<1x125xi32, #tpu.memory_space<vmem>>
      %dma_start3A_313 = tpu.memref_squeeze %dma_start3A_312 : memref<1x125xi32, #tpu.memory_space<vmem>> -> memref<125xi32, #tpu.memory_space<vmem>>
      %dma_start3A_314 = arith.constant 0 : i32
      %dma_start3A_315 = arith.constant 0 : i32
      %dma_start3A_316 = tpu.memref_slice %arg15[%dma_start3A_314, %dma_start3A_315] : memref<10000x64xf32, #tpu.memory_space<vmem_shared>> -> memref<10000x64xf32, #tpu.memory_space<vmem_shared>>
      tpu.enqueue_indirect_dma source(%arg10 : memref<125x64xf32, #tpu.memory_space<vmem>>) target(%dma_start3A_316 : memref<10000x64xf32, #tpu.memory_space<vmem_shared>>) offsets(%dma_start3A_313 : memref<125xi32, #tpu.memory_space<vmem>>) semaphore(%arg20 : memref<!tpu.dma_semaphore, #tpu.memory_space<semaphore_mem>>) {add = true}
      %add3A_317 = arith.constant 1 : i32
      %add3A_318 = arith.addi %mul3A_300, %add3A_317 : i32
      %dma_wait3A_319 = arith.constant 0 : i32
      %dma_wait3A_320 = tpu.memref_slice %arg8[%add3A_318, %dma_wait3A_319] : memref<80x125xi32, #tpu.memory_space<vmem>> -> memref<1x125xi32, #tpu.memory_space<vmem>>
      %dma_wait3A_321 = tpu.memref_squeeze %dma_wait3A_320 : memref<1x125xi32, #tpu.memory_space<vmem>> -> memref<125xi32, #tpu.memory_space<vmem>>
      %dma_wait3A_322 = arith.constant 0 : i32
      %dma_wait3A_323 = arith.constant 0 : i32
      %dma_wait3A_324 = tpu.memref_slice %arg2[%dma_wait3A_322, %dma_wait3A_323] : memref<10000x64xf32, #tpu.memory_space<hbm>> -> memref<10000x64xf32, #tpu.memory_space<hbm>>
      tpu.wait_indirect_dma semaphore(%arg17 : memref<!tpu.dma_semaphore, #tpu.memory_space<semaphore_mem>>) src(%dma_wait3A_324 : memref<10000x64xf32, #tpu.memory_space<hbm>>) dst(%arg11 : memref<125x64xf32, #tpu.memory_space<vmem>>)
      %add3A_325 = arith.constant 1 : i32
      %add3A_326 = arith.addi %mul3A_300, %add3A_325 : i32
      %dma_start3A_327 = arith.constant 0 : i32
      %dma_start3A_328 = tpu.memref_slice %arg9[%add3A_326, %dma_start3A_327] : memref<80x125xi32, #tpu.memory_space<vmem>> -> memref<1x125xi32, #tpu.memory_space<vmem>>
      %dma_start3A_329 = tpu.memref_squeeze %dma_start3A_328 : memref<1x125xi32, #tpu.memory_space<vmem>> -> memref<125xi32, #tpu.memory_space<vmem>>
      %dma_start3A_330 = arith.constant 0 : i32
      %dma_start3A_331 = arith.constant 0 : i32
      %dma_start3A_332 = tpu.memref_slice %arg15[%dma_start3A_330, %dma_start3A_331] : memref<10000x64xf32, #tpu.memory_space<vmem_shared>> -> memref<10000x64xf32, #tpu.memory_space<vmem_shared>>
      tpu.enqueue_indirect_dma source(%arg11 : memref<125x64xf32, #tpu.memory_space<vmem>>) target(%dma_start3A_332 : memref<10000x64xf32, #tpu.memory_space<vmem_shared>>) offsets(%dma_start3A_329 : memref<125xi32, #tpu.memory_space<vmem>>) semaphore(%arg21 : memref<!tpu.dma_semaphore, #tpu.memory_space<semaphore_mem>>) {add = true}
      %add3A_333 = arith.constant 2 : i32
      %add3A_334 = arith.addi %mul3A_300, %add3A_333 : i32
      %dma_wait3A_335 = arith.constant 0 : i32
      %dma_wait3A_336 = tpu.memref_slice %arg8[%add3A_334, %dma_wait3A_335] : memref<80x125xi32, #tpu.memory_space<vmem>> -> memref<1x125xi32, #tpu.memory_space<vmem>>
      %dma_wait3A_337 = tpu.memref_squeeze %dma_wait3A_336 : memref<1x125xi32, #tpu.memory_space<vmem>> -> memref<125xi32, #tpu.memory_space<vmem>>
      %dma_wait3A_338 = arith.constant 0 : i32
      %dma_wait3A_339 = arith.constant 0 : i32
      %dma_wait3A_340 = tpu.memref_slice %arg2[%dma_wait3A_338, %dma_wait3A_339] : memref<10000x64xf32, #tpu.memory_space<hbm>> -> memref<10000x64xf32, #tpu.memory_space<hbm>>
      tpu.wait_indirect_dma semaphore(%arg18 : memref<!tpu.dma_semaphore, #tpu.memory_space<semaphore_mem>>) src(%dma_wait3A_340 : memref<10000x64xf32, #tpu.memory_space<hbm>>) dst(%arg12 : memref<125x64xf32, #tpu.memory_space<vmem>>)
      %add3A_341 = arith.constant 2 : i32
      %add3A_342 = arith.addi %mul3A_300, %add3A_341 : i32
      %dma_start3A_343 = arith.constant 0 : i32
      %dma_start3A_344 = tpu.memref_slice %arg9[%add3A_342, %dma_start3A_343] : memref<80x125xi32, #tpu.memory_space<vmem>> -> memref<1x125xi32, #tpu.memory_space<vmem>>
      %dma_start3A_345 = tpu.memref_squeeze %dma_start3A_344 : memref<1x125xi32, #tpu.memory_space<vmem>> -> memref<125xi32, #tpu.memory_space<vmem>>
      %dma_start3A_346 = arith.constant 0 : i32
      %dma_start3A_347 = arith.constant 0 : i32
      %dma_start3A_348 = tpu.memref_slice %arg15[%dma_start3A_346, %dma_start3A_347] : memref<10000x64xf32, #tpu.memory_space<vmem_shared>> -> memref<10000x64xf32, #tpu.memory_space<vmem_shared>>
      tpu.enqueue_indirect_dma source(%arg12 : memref<125x64xf32, #tpu.memory_space<vmem>>) target(%dma_start3A_348 : memref<10000x64xf32, #tpu.memory_space<vmem_shared>>) offsets(%dma_start3A_345 : memref<125xi32, #tpu.memory_space<vmem>>) semaphore(%arg22 : memref<!tpu.dma_semaphore, #tpu.memory_space<semaphore_mem>>) {add = true}
      %add3A_349 = arith.constant 3 : i32
      %add3A_350 = arith.addi %mul3A_300, %add3A_349 : i32
      %dma_wait3A_351 = arith.constant 0 : i32
      %dma_wait3A_352 = tpu.memref_slice %arg8[%add3A_350, %dma_wait3A_351] : memref<80x125xi32, #tpu.memory_space<vmem>> -> memref<1x125xi32, #tpu.memory_space<vmem>>
      %dma_wait3A_353 = tpu.memref_squeeze %dma_wait3A_352 : memref<1x125xi32, #tpu.memory_space<vmem>> -> memref<125xi32, #tpu.memory_space<vmem>>
      %dma_wait3A_354 = arith.constant 0 : i32
      %dma_wait3A_355 = arith.constant 0 : i32
      %dma_wait3A_356 = tpu.memref_slice %arg2[%dma_wait3A_354, %dma_wait3A_355] : memref<10000x64xf32, #tpu.memory_space<hbm>> -> memref<10000x64xf32, #tpu.memory_space<hbm>>
      tpu.wait_indirect_dma semaphore(%arg19 : memref<!tpu.dma_semaphore, #tpu.memory_space<semaphore_mem>>) src(%dma_wait3A_356 : memref<10000x64xf32, #tpu.memory_space<hbm>>) dst(%arg13 : memref<125x64xf32, #tpu.memory_space<vmem>>)
      %add3A_357 = arith.constant 3 : i32
      %add3A_358 = arith.addi %mul3A_300, %add3A_357 : i32
      %dma_start3A_359 = arith.constant 0 : i32
      %dma_start3A_360 = tpu.memref_slice %arg9[%add3A_358, %dma_start3A_359] : memref<80x125xi32, #tpu.memory_space<vmem>> -> memref<1x125xi32, #tpu.memory_space<vmem>>
      %dma_start3A_361 = tpu.memref_squeeze %dma_start3A_360 : memref<1x125xi32, #tpu.memory_space<vmem>> -> memref<125xi32, #tpu.memory_space<vmem>>
      %dma_start3A_362 = arith.constant 0 : i32
      %dma_start3A_363 = arith.constant 0 : i32
      %dma_start3A_364 = tpu.memref_slice %arg15[%dma_start3A_362, %dma_start3A_363] : memref<10000x64xf32, #tpu.memory_space<vmem_shared>> -> memref<10000x64xf32, #tpu.memory_space<vmem_shared>>
      tpu.enqueue_indirect_dma source(%arg13 : memref<125x64xf32, #tpu.memory_space<vmem>>) target(%dma_start3A_364 : memref<10000x64xf32, #tpu.memory_space<vmem_shared>>) offsets(%dma_start3A_361 : memref<125xi32, #tpu.memory_space<vmem>>) semaphore(%arg23 : memref<!tpu.dma_semaphore, #tpu.memory_space<semaphore_mem>>) {add = true}
      %add3A_365 = arith.constant 0 : i32
      %add3A_366 = arith.addi %mul3A_300, %add3A_365 : i32
      %dma_wait3A_367 = arith.constant 0 : i32
      %dma_wait3A_368 = tpu.memref_slice %arg9[%add3A_366, %dma_wait3A_367] : memref<80x125xi32, #tpu.memory_space<vmem>> -> memref<1x125xi32, #tpu.memory_space<vmem>>
      %dma_wait3A_369 = tpu.memref_squeeze %dma_wait3A_368 : memref<1x125xi32, #tpu.memory_space<vmem>> -> memref<125xi32, #tpu.memory_space<vmem>>
      %dma_wait3A_370 = arith.constant 0 : i32
      %dma_wait3A_371 = arith.constant 0 : i32
      %dma_wait3A_372 = tpu.memref_slice %arg15[%dma_wait3A_370, %dma_wait3A_371] : memref<10000x64xf32, #tpu.memory_space<vmem_shared>> -> memref<10000x64xf32, #tpu.memory_space<vmem_shared>>
      tpu.wait_indirect_dma semaphore(%arg20 : memref<!tpu.dma_semaphore, #tpu.memory_space<semaphore_mem>>) src(%arg10 : memref<125x64xf32, #tpu.memory_space<vmem>>) dst(%dma_wait3A_372 : memref<10000x64xf32, #tpu.memory_space<vmem_shared>>)
      %add3A_373 = arith.constant 4 : i32
      %add3A_374 = arith.addi %mul3A_300, %add3A_373 : i32
      %add3A_375 = arith.constant 0 : i32
      %add3A_376 = arith.addi %add3A_374, %add3A_375 : i32
      %dma_start3A_377 = arith.constant 0 : i32
      %dma_start3A_378 = tpu.memref_slice %arg8[%add3A_376, %dma_start3A_377] : memref<80x125xi32, #tpu.memory_space<vmem>> -> memref<1x125xi32, #tpu.memory_space<vmem>>
      %dma_start3A_379 = tpu.memref_squeeze %dma_start3A_378 : memref<1x125xi32, #tpu.memory_space<vmem>> -> memref<125xi32, #tpu.memory_space<vmem>>
      %dma_start3A_380 = arith.constant 0 : i32
      %dma_start3A_381 = arith.constant 0 : i32
      %dma_start3A_382 = tpu.memref_slice %arg2[%dma_start3A_380, %dma_start3A_381] : memref<10000x64xf32, #tpu.memory_space<hbm>> -> memref<10000x64xf32, #tpu.memory_space<hbm>>
      tpu.enqueue_indirect_dma source(%dma_start3A_382 : memref<10000x64xf32, #tpu.memory_space<hbm>>) target(%arg10 : memref<125x64xf32, #tpu.memory_space<vmem>>) offsets(%dma_start3A_379 : memref<125xi32, #tpu.memory_space<vmem>>) semaphore(%arg16 : memref<!tpu.dma_semaphore, #tpu.memory_space<semaphore_mem>>)
      %add3A_383 = arith.constant 1 : i32
      %add3A_384 = arith.addi %mul3A_300, %add3A_383 : i32
      %dma_wait3A_385 = arith.constant 0 : i32
      %dma_wait3A_386 = tpu.memref_slice %arg9[%add3A_384, %dma_wait3A_385] : memref<80x125xi32, #tpu.memory_space<vmem>> -> memref<1x125xi32, #tpu.memory_space<vmem>>
      %dma_wait3A_387 = tpu.memref_squeeze %dma_wait3A_386 : memref<1x125xi32, #tpu.memory_space<vmem>> -> memref<125xi32, #tpu.memory_space<vmem>>
      %dma_wait3A_388 = arith.constant 0 : i32
      %dma_wait3A_389 = arith.constant 0 : i32
      %dma_wait3A_390 = tpu.memref_slice %arg15[%dma_wait3A_388, %dma_wait3A_389] : memref<10000x64xf32, #tpu.memory_space<vmem_shared>> -> memref<10000x64xf32, #tpu.memory_space<vmem_shared>>
      tpu.wait_indirect_dma semaphore(%arg21 : memref<!tpu.dma_semaphore, #tpu.memory_space<semaphore_mem>>) src(%arg11 : memref<125x64xf32, #tpu.memory_space<vmem>>) dst(%dma_wait3A_390 : memref<10000x64xf32, #tpu.memory_space<vmem_shared>>)
      %add3A_391 = arith.constant 4 : i32
      %add3A_392 = arith.addi %mul3A_300, %add3A_391 : i32
      %add3A_393 = arith.constant 1 : i32
      %add3A_394 = arith.addi %add3A_392, %add3A_393 : i32
      %dma_start3A_395 = arith.constant 0 : i32
      %dma_start3A_396 = tpu.memref_slice %arg8[%add3A_394, %dma_start3A_395] : memref<80x125xi32, #tpu.memory_space<vmem>> -> memref<1x125xi32, #tpu.memory_space<vmem>>
      %dma_start3A_397 = tpu.memref_squeeze %dma_start3A_396 : memref<1x125xi32, #tpu.memory_space<vmem>> -> memref<125xi32, #tpu.memory_space<vmem>>
      %dma_start3A_398 = arith.constant 0 : i32
      %dma_start3A_399 = arith.constant 0 : i32
      %dma_start3A_400 = tpu.memref_slice %arg2[%dma_start3A_398, %dma_start3A_399] : memref<10000x64xf32, #tpu.memory_space<hbm>> -> memref<10000x64xf32, #tpu.memory_space<hbm>>
      tpu.enqueue_indirect_dma source(%dma_start3A_400 : memref<10000x64xf32, #tpu.memory_space<hbm>>) target(%arg11 : memref<125x64xf32, #tpu.memory_space<vmem>>) offsets(%dma_start3A_397 : memref<125xi32, #tpu.memory_space<vmem>>) semaphore(%arg17 : memref<!tpu.dma_semaphore, #tpu.memory_space<semaphore_mem>>)
      %add3A_401 = arith.constant 2 : i32
      %add3A_402 = arith.addi %mul3A_300, %add3A_401 : i32
      %dma_wait3A_403 = arith.constant 0 : i32
      %dma_wait3A_404 = tpu.memref_slice %arg9[%add3A_402, %dma_wait3A_403] : memref<80x125xi32, #tpu.memory_space<vmem>> -> memref<1x125xi32, #tpu.memory_space<vmem>>
      %dma_wait3A_405 = tpu.memref_squeeze %dma_wait3A_404 : memref<1x125xi32, #tpu.memory_space<vmem>> -> memref<125xi32, #tpu.memory_space<vmem>>
      %dma_wait3A_406 = arith.constant 0 : i32
      %dma_wait3A_407 = arith.constant 0 : i32
      %dma_wait3A_408 = tpu.memref_slice %arg15[%dma_wait3A_406, %dma_wait3A_407] : memref<10000x64xf32, #tpu.memory_space<vmem_shared>> -> memref<10000x64xf32, #tpu.memory_space<vmem_shared>>
      tpu.wait_indirect_dma semaphore(%arg22 : memref<!tpu.dma_semaphore, #tpu.memory_space<semaphore_mem>>) src(%arg12 : memref<125x64xf32, #tpu.memory_space<vmem>>) dst(%dma_wait3A_408 : memref<10000x64xf32, #tpu.memory_space<vmem_shared>>)
      %add3A_409 = arith.constant 4 : i32
      %add3A_410 = arith.addi %mul3A_300, %add3A_409 : i32
      %add3A_411 = arith.constant 2 : i32
      %add3A_412 = arith.addi %add3A_410, %add3A_411 : i32
      %dma_start3A_413 = arith.constant 0 : i32
      %dma_start3A_414 = tpu.memref_slice %arg8[%add3A_412, %dma_start3A_413] : memref<80x125xi32, #tpu.memory_space<vmem>> -> memref<1x125xi32, #tpu.memory_space<vmem>>
      %dma_start3A_415 = tpu.memref_squeeze %dma_start3A_414 : memref<1x125xi32, #tpu.memory_space<vmem>> -> memref<125xi32, #tpu.memory_space<vmem>>
      %dma_start3A_416 = arith.constant 0 : i32
      %dma_start3A_417 = arith.constant 0 : i32
      %dma_start3A_418 = tpu.memref_slice %arg2[%dma_start3A_416, %dma_start3A_417] : memref<10000x64xf32, #tpu.memory_space<hbm>> -> memref<10000x64xf32, #tpu.memory_space<hbm>>
      tpu.enqueue_indirect_dma source(%dma_start3A_418 : memref<10000x64xf32, #tpu.memory_space<hbm>>) target(%arg12 : memref<125x64xf32, #tpu.memory_space<vmem>>) offsets(%dma_start3A_415 : memref<125xi32, #tpu.memory_space<vmem>>) semaphore(%arg18 : memref<!tpu.dma_semaphore, #tpu.memory_space<semaphore_mem>>)
      %add3A_419 = arith.constant 3 : i32
      %add3A_420 = arith.addi %mul3A_300, %add3A_419 : i32
      %dma_wait3A_421 = arith.constant 0 : i32
      %dma_wait3A_422 = tpu.memref_slice %arg9[%add3A_420, %dma_wait3A_421] : memref<80x125xi32, #tpu.memory_space<vmem>> -> memref<1x125xi32, #tpu.memory_space<vmem>>
      %dma_wait3A_423 = tpu.memref_squeeze %dma_wait3A_422 : memref<1x125xi32, #tpu.memory_space<vmem>> -> memref<125xi32, #tpu.memory_space<vmem>>
      %dma_wait3A_424 = arith.constant 0 : i32
      %dma_wait3A_425 = arith.constant 0 : i32
      %dma_wait3A_426 = tpu.memref_slice %arg15[%dma_wait3A_424, %dma_wait3A_425] : memref<10000x64xf32, #tpu.memory_space<vmem_shared>> -> memref<10000x64xf32, #tpu.memory_space<vmem_shared>>
      tpu.wait_indirect_dma semaphore(%arg23 : memref<!tpu.dma_semaphore, #tpu.memory_space<semaphore_mem>>) src(%arg13 : memref<125x64xf32, #tpu.memory_space<vmem>>) dst(%dma_wait3A_426 : memref<10000x64xf32, #tpu.memory_space<vmem_shared>>)
      %add3A_427 = arith.constant 4 : i32
      %add3A_428 = arith.addi %mul3A_300, %add3A_427 : i32
      %add3A_429 = arith.constant 3 : i32
      %add3A_430 = arith.addi %add3A_428, %add3A_429 : i32
      %dma_start3A_431 = arith.constant 0 : i32
      %dma_start3A_432 = tpu.memref_slice %arg8[%add3A_430, %dma_start3A_431] : memref<80x125xi32, #tpu.memory_space<vmem>> -> memref<1x125xi32, #tpu.memory_space<vmem>>
      %dma_start3A_433 = tpu.memref_squeeze %dma_start3A_432 : memref<1x125xi32, #tpu.memory_space<vmem>> -> memref<125xi32, #tpu.memory_space<vmem>>
      %dma_start3A_434 = arith.constant 0 : i32
      %dma_start3A_435 = arith.constant 0 : i32
      %dma_start3A_436 = tpu.memref_slice %arg2[%dma_start3A_434, %dma_start3A_435] : memref<10000x64xf32, #tpu.memory_space<hbm>> -> memref<10000x64xf32, #tpu.memory_space<hbm>>
      tpu.enqueue_indirect_dma source(%dma_start3A_436 : memref<10000x64xf32, #tpu.memory_space<hbm>>) target(%arg13 : memref<125x64xf32, #tpu.memory_space<vmem>>) offsets(%dma_start3A_433 : memref<125xi32, #tpu.memory_space<vmem>>) semaphore(%arg19 : memref<!tpu.dma_semaphore, #tpu.memory_space<semaphore_mem>>)
    }
    %scan3A_52 = arith.constant 19 : i32
    %dma_wait3A = arith.constant 76 : i32
    %dma_wait3A_53 = arith.constant 0 : i32
    %dma_wait3A_54 = tpu.memref_slice %arg8[%dma_wait3A, %dma_wait3A_53] : memref<80x125xi32, #tpu.memory_space<vmem>> -> memref<1x125xi32, #tpu.memory_space<vmem>>
    %dma_wait3A_55 = tpu.memref_squeeze %dma_wait3A_54 : memref<1x125xi32, #tpu.memory_space<vmem>> -> memref<125xi32, #tpu.memory_space<vmem>>
    %dma_wait3A_56 = arith.constant 0 : i32
    %dma_wait3A_57 = arith.constant 0 : i32
    %dma_wait3A_58 = tpu.memref_slice %arg2[%dma_wait3A_56, %dma_wait3A_57] : memref<10000x64xf32, #tpu.memory_space<hbm>> -> memref<10000x64xf32, #tpu.memory_space<hbm>>
    tpu.wait_indirect_dma semaphore(%arg16 : memref<!tpu.dma_semaphore, #tpu.memory_space<semaphore_mem>>) src(%dma_wait3A_58 : memref<10000x64xf32, #tpu.memory_space<hbm>>) dst(%arg10 : memref<125x64xf32, #tpu.memory_space<vmem>>)
    %dma_start3A_59 = arith.constant 76 : i32
    %dma_start3A_60 = arith.constant 0 : i32
    %dma_start3A_61 = tpu.memref_slice %arg9[%dma_start3A_59, %dma_start3A_60] : memref<80x125xi32, #tpu.memory_space<vmem>> -> memref<1x125xi32, #tpu.memory_space<vmem>>
    %dma_start3A_62 = tpu.memref_squeeze %dma_start3A_61 : memref<1x125xi32, #tpu.memory_space<vmem>> -> memref<125xi32, #tpu.memory_space<vmem>>
    %dma_start3A_63 = arith.constant 0 : i32
    %dma_start3A_64 = arith.constant 0 : i32
    %dma_start3A_65 = tpu.memref_slice %arg15[%dma_start3A_63, %dma_start3A_64] : memref<10000x64xf32, #tpu.memory_space<vmem_shared>> -> memref<10000x64xf32, #tpu.memory_space<vmem_shared>>
    tpu.enqueue_indirect_dma source(%arg10 : memref<125x64xf32, #tpu.memory_space<vmem>>) target(%dma_start3A_65 : memref<10000x64xf32, #tpu.memory_space<vmem_shared>>) offsets(%dma_start3A_62 : memref<125xi32, #tpu.memory_space<vmem>>) semaphore(%arg20 : memref<!tpu.dma_semaphore, #tpu.memory_space<semaphore_mem>>) {add = true}
    %dma_wait3A_66 = arith.constant 77 : i32
    %dma_wait3A_67 = arith.constant 0 : i32
    %dma_wait3A_68 = tpu.memref_slice %arg8[%dma_wait3A_66, %dma_wait3A_67] : memref<80x125xi32, #tpu.memory_space<vmem>> -> memref<1x125xi32, #tpu.memory_space<vmem>>
    %dma_wait3A_69 = tpu.memref_squeeze %dma_wait3A_68 : memref<1x125xi32, #tpu.memory_space<vmem>> -> memref<125xi32, #tpu.memory_space<vmem>>
    %dma_wait3A_70 = arith.constant 0 : i32
    %dma_wait3A_71 = arith.constant 0 : i32
    %dma_wait3A_72 = tpu.memref_slice %arg2[%dma_wait3A_70, %dma_wait3A_71] : memref<10000x64xf32, #tpu.memory_space<hbm>> -> memref<10000x64xf32, #tpu.memory_space<hbm>>
    tpu.wait_indirect_dma semaphore(%arg17 : memref<!tpu.dma_semaphore, #tpu.memory_space<semaphore_mem>>) src(%dma_wait3A_72 : memref<10000x64xf32, #tpu.memory_space<hbm>>) dst(%arg11 : memref<125x64xf32, #tpu.memory_space<vmem>>)
    %dma_start3A_73 = arith.constant 77 : i32
    %dma_start3A_74 = arith.constant 0 : i32
    %dma_start3A_75 = tpu.memref_slice %arg9[%dma_start3A_73, %dma_start3A_74] : memref<80x125xi32, #tpu.memory_space<vmem>> -> memref<1x125xi32, #tpu.memory_space<vmem>>
    %dma_start3A_76 = tpu.memref_squeeze %dma_start3A_75 : memref<1x125xi32, #tpu.memory_space<vmem>> -> memref<125xi32, #tpu.memory_space<vmem>>
    %dma_start3A_77 = arith.constant 0 : i32
    %dma_start3A_78 = arith.constant 0 : i32
    %dma_start3A_79 = tpu.memref_slice %arg15[%dma_start3A_77, %dma_start3A_78] : memref<10000x64xf32, #tpu.memory_space<vmem_shared>> -> memref<10000x64xf32, #tpu.memory_space<vmem_shared>>
    tpu.enqueue_indirect_dma source(%arg11 : memref<125x64xf32, #tpu.memory_space<vmem>>) target(%dma_start3A_79 : memref<10000x64xf32, #tpu.memory_space<vmem_shared>>) offsets(%dma_start3A_76 : memref<125xi32, #tpu.memory_space<vmem>>) semaphore(%arg21 : memref<!tpu.dma_semaphore, #tpu.memory_space<semaphore_mem>>) {add = true}
    %dma_wait3A_80 = arith.constant 78 : i32
    %dma_wait3A_81 = arith.constant 0 : i32
    %dma_wait3A_82 = tpu.memref_slice %arg8[%dma_wait3A_80, %dma_wait3A_81] : memref<80x125xi32, #tpu.memory_space<vmem>> -> memref<1x125xi32, #tpu.memory_space<vmem>>
    %dma_wait3A_83 = tpu.memref_squeeze %dma_wait3A_82 : memref<1x125xi32, #tpu.memory_space<vmem>> -> memref<125xi32, #tpu.memory_space<vmem>>
    %dma_wait3A_84 = arith.constant 0 : i32
    %dma_wait3A_85 = arith.constant 0 : i32
    %dma_wait3A_86 = tpu.memref_slice %arg2[%dma_wait3A_84, %dma_wait3A_85] : memref<10000x64xf32, #tpu.memory_space<hbm>> -> memref<10000x64xf32, #tpu.memory_space<hbm>>
    tpu.wait_indirect_dma semaphore(%arg18 : memref<!tpu.dma_semaphore, #tpu.memory_space<semaphore_mem>>) src(%dma_wait3A_86 : memref<10000x64xf32, #tpu.memory_space<hbm>>) dst(%arg12 : memref<125x64xf32, #tpu.memory_space<vmem>>)
    %dma_start3A_87 = arith.constant 78 : i32
    %dma_start3A_88 = arith.constant 0 : i32
    %dma_start3A_89 = tpu.memref_slice %arg9[%dma_start3A_87, %dma_start3A_88] : memref<80x125xi32, #tpu.memory_space<vmem>> -> memref<1x125xi32, #tpu.memory_space<vmem>>
    %dma_start3A_90 = tpu.memref_squeeze %dma_start3A_89 : memref<1x125xi32, #tpu.memory_space<vmem>> -> memref<125xi32, #tpu.memory_space<vmem>>
    %dma_start3A_91 = arith.constant 0 : i32
    %dma_start3A_92 = arith.constant 0 : i32
    %dma_start3A_93 = tpu.memref_slice %arg15[%dma_start3A_91, %dma_start3A_92] : memref<10000x64xf32, #tpu.memory_space<vmem_shared>> -> memref<10000x64xf32, #tpu.memory_space<vmem_shared>>
    tpu.enqueue_indirect_dma source(%arg12 : memref<125x64xf32, #tpu.memory_space<vmem>>) target(%dma_start3A_93 : memref<10000x64xf32, #tpu.memory_space<vmem_shared>>) offsets(%dma_start3A_90 : memref<125xi32, #tpu.memory_space<vmem>>) semaphore(%arg22 : memref<!tpu.dma_semaphore, #tpu.memory_space<semaphore_mem>>) {add = true}
    %dma_wait3A_94 = arith.constant 79 : i32
    %dma_wait3A_95 = arith.constant 0 : i32
    %dma_wait3A_96 = tpu.memref_slice %arg8[%dma_wait3A_94, %dma_wait3A_95] : memref<80x125xi32, #tpu.memory_space<vmem>> -> memref<1x125xi32, #tpu.memory_space<vmem>>
    %dma_wait3A_97 = tpu.memref_squeeze %dma_wait3A_96 : memref<1x125xi32, #tpu.memory_space<vmem>> -> memref<125xi32, #tpu.memory_space<vmem>>
    %dma_wait3A_98 = arith.constant 0 : i32
    %dma_wait3A_99 = arith.constant 0 : i32
    %dma_wait3A_100 = tpu.memref_slice %arg2[%dma_wait3A_98, %dma_wait3A_99] : memref<10000x64xf32, #tpu.memory_space<hbm>> -> memref<10000x64xf32, #tpu.memory_space<hbm>>
    tpu.wait_indirect_dma semaphore(%arg19 : memref<!tpu.dma_semaphore, #tpu.memory_space<semaphore_mem>>) src(%dma_wait3A_100 : memref<10000x64xf32, #tpu.memory_space<hbm>>) dst(%arg13 : memref<125x64xf32, #tpu.memory_space<vmem>>)
    %dma_start3A_101 = arith.constant 79 : i32
    %dma_start3A_102 = arith.constant 0 : i32
    %dma_start3A_103 = tpu.memref_slice %arg9[%dma_start3A_101, %dma_start3A_102] : memref<80x125xi32, #tpu.memory_space<vmem>> -> memref<1x125xi32, #tpu.memory_space<vmem>>
    %dma_start3A_104 = tpu.memref_squeeze %dma_start3A_103 : memref<1x125xi32, #tpu.memory_space<vmem>> -> memref<125xi32, #tpu.memory_space<vmem>>
    %dma_start3A_105 = arith.constant 0 : i32
    %dma_start3A_106 = arith.constant 0 : i32
    %dma_start3A_107 = tpu.memref_slice %arg15[%dma_start3A_105, %dma_start3A_106] : memref<10000x64xf32, #tpu.memory_space<vmem_shared>> -> memref<10000x64xf32, #tpu.memory_space<vmem_shared>>
    tpu.enqueue_indirect_dma source(%arg13 : memref<125x64xf32, #tpu.memory_space<vmem>>) target(%dma_start3A_107 : memref<10000x64xf32, #tpu.memory_space<vmem_shared>>) offsets(%dma_start3A_104 : memref<125xi32, #tpu.memory_space<vmem>>) semaphore(%arg23 : memref<!tpu.dma_semaphore, #tpu.memory_space<semaphore_mem>>) {add = true}
    %dma_wait3A_108 = arith.constant 76 : i32
    %dma_wait3A_109 = arith.constant 0 : i32
    %dma_wait3A_110 = tpu.memref_slice %arg9[%dma_wait3A_108, %dma_wait3A_109] : memref<80x125xi32, #tpu.memory_space<vmem>> -> memref<1x125xi32, #tpu.memory_space<vmem>>
    %dma_wait3A_111 = tpu.memref_squeeze %dma_wait3A_110 : memref<1x125xi32, #tpu.memory_space<vmem>> -> memref<125xi32, #tpu.memory_space<vmem>>
    %dma_wait3A_112 = arith.constant 0 : i32
    %dma_wait3A_113 = arith.constant 0 : i32
    %dma_wait3A_114 = tpu.memref_slice %arg15[%dma_wait3A_112, %dma_wait3A_113] : memref<10000x64xf32, #tpu.memory_space<vmem_shared>> -> memref<10000x64xf32, #tpu.memory_space<vmem_shared>>
    tpu.wait_indirect_dma semaphore(%arg20 : memref<!tpu.dma_semaphore, #tpu.memory_space<semaphore_mem>>) src(%arg10 : memref<125x64xf32, #tpu.memory_space<vmem>>) dst(%dma_wait3A_114 : memref<10000x64xf32, #tpu.memory_space<vmem_shared>>)
    %dma_wait3A_115 = arith.constant 77 : i32
    %dma_wait3A_116 = arith.constant 0 : i32
    %dma_wait3A_117 = tpu.memref_slice %arg9[%dma_wait3A_115, %dma_wait3A_116] : memref<80x125xi32, #tpu.memory_space<vmem>> -> memref<1x125xi32, #tpu.memory_space<vmem>>
    %dma_wait3A_118 = tpu.memref_squeeze %dma_wait3A_117 : memref<1x125xi32, #tpu.memory_space<vmem>> -> memref<125xi32, #tpu.memory_space<vmem>>
    %dma_wait3A_119 = arith.constant 0 : i32
    %dma_wait3A_120 = arith.constant 0 : i32
    %dma_wait3A_121 = tpu.memref_slice %arg15[%dma_wait3A_119, %dma_wait3A_120] : memref<10000x64xf32, #tpu.memory_space<vmem_shared>> -> memref<10000x64xf32, #tpu.memory_space<vmem_shared>>
    tpu.wait_indirect_dma semaphore(%arg21 : memref<!tpu.dma_semaphore, #tpu.memory_space<semaphore_mem>>) src(%arg11 : memref<125x64xf32, #tpu.memory_space<vmem>>) dst(%dma_wait3A_121 : memref<10000x64xf32, #tpu.memory_space<vmem_shared>>)
    %dma_wait3A_122 = arith.constant 78 : i32
    %dma_wait3A_123 = arith.constant 0 : i32
    %dma_wait3A_124 = tpu.memref_slice %arg9[%dma_wait3A_122, %dma_wait3A_123] : memref<80x125xi32, #tpu.memory_space<vmem>> -> memref<1x125xi32, #tpu.memory_space<vmem>>
    %dma_wait3A_125 = tpu.memref_squeeze %dma_wait3A_124 : memref<1x125xi32, #tpu.memory_space<vmem>> -> memref<125xi32, #tpu.memory_space<vmem>>
    %dma_wait3A_126 = arith.constant 0 : i32
    %dma_wait3A_127 = arith.constant 0 : i32
    %dma_wait3A_128 = tpu.memref_slice %arg15[%dma_wait3A_126, %dma_wait3A_127] : memref<10000x64xf32, #tpu.memory_space<vmem_shared>> -> memref<10000x64xf32, #tpu.memory_space<vmem_shared>>
    tpu.wait_indirect_dma semaphore(%arg22 : memref<!tpu.dma_semaphore, #tpu.memory_space<semaphore_mem>>) src(%arg12 : memref<125x64xf32, #tpu.memory_space<vmem>>) dst(%dma_wait3A_128 : memref<10000x64xf32, #tpu.memory_space<vmem_shared>>)
    %dma_wait3A_129 = arith.constant 79 : i32
    %dma_wait3A_130 = arith.constant 0 : i32
    %dma_wait3A_131 = tpu.memref_slice %arg9[%dma_wait3A_129, %dma_wait3A_130] : memref<80x125xi32, #tpu.memory_space<vmem>> -> memref<1x125xi32, #tpu.memory_space<vmem>>
    %dma_wait3A_132 = tpu.memref_squeeze %dma_wait3A_131 : memref<1x125xi32, #tpu.memory_space<vmem>> -> memref<125xi32, #tpu.memory_space<vmem>>
    %dma_wait3A_133 = arith.constant 0 : i32
    %dma_wait3A_134 = arith.constant 0 : i32
    %dma_wait3A_135 = tpu.memref_slice %arg15[%dma_wait3A_133, %dma_wait3A_134] : memref<10000x64xf32, #tpu.memory_space<vmem_shared>> -> memref<10000x64xf32, #tpu.memory_space<vmem_shared>>
    tpu.wait_indirect_dma semaphore(%arg23 : memref<!tpu.dma_semaphore, #tpu.memory_space<semaphore_mem>>) src(%arg13 : memref<125x64xf32, #tpu.memory_space<vmem>>) dst(%dma_wait3A_135 : memref<10000x64xf32, #tpu.memory_space<vmem_shared>>)
    %barrier3A_136 = arith.constant 0 : index
    tpu.barrier barrier_id(%barrier3A_136)
    %mul3A_137 = arith.constant 624 : i32
    %mul3A_138 = arith.muli %arg1, %mul3A_137 : i32
    %mul3A_139 = arith.constant 10000 : i32
    %mul3A_140 = arith.muli %arg0, %mul3A_139 : i32
    %mul3A_141 = arith.constant 624 : i32
    %mul3A_142 = arith.muli %arg1, %mul3A_141 : i32
    %add3A_143 = arith.addi %mul3A_140, %mul3A_142 : i32
    "tpu.region"() ({
      %run_scoped3A = tpu.sem_alloc : memref<!tpu.dma_semaphore, #tpu.memory_space<semaphore_mem>>
      %dma_start3A_298 = arith.constant 0 : i32
      %dma_start3A_299 = tpu.memref_slice %arg6[%add3A_143, %dma_start3A_298] : memref<20000x64xf32, #tpu.memory_space<hbm>> -> memref<624x64xf32, #tpu.memory_space<hbm>>
      %dma_start3A_300 = arith.constant 0 : i32
      %dma_start3A_301 = tpu.memref_slice %arg15[%mul3A_138, %dma_start3A_300] : memref<10000x64xf32, #tpu.memory_space<vmem_shared>> -> memref<624x64xf32, #tpu.memory_space<vmem_shared>>
      tpu.enqueue_dma source(%dma_start3A_301 : memref<624x64xf32, #tpu.memory_space<vmem_shared>>) target(%dma_start3A_299 : memref<624x64xf32, #tpu.memory_space<hbm>>) target_semaphore(%run_scoped3A : memref<!tpu.dma_semaphore, #tpu.memory_space<semaphore_mem>>)
      %dma_wait3A_302 = arith.constant 0 : i32
      %dma_wait3A_303 = tpu.memref_slice %arg6[%add3A_143, %dma_wait3A_302] : memref<20000x64xf32, #tpu.memory_space<hbm>> -> memref<624x64xf32, #tpu.memory_space<hbm>>
      %dma_wait3A_304 = arith.constant 0 : i32
      %dma_wait3A_305 = tpu.memref_slice %arg15[%mul3A_138, %dma_wait3A_304] : memref<10000x64xf32, #tpu.memory_space<vmem_shared>> -> memref<624x64xf32, #tpu.memory_space<vmem_shared>>
      tpu.wait_dma2 semaphore(%run_scoped3A : memref<!tpu.dma_semaphore, #tpu.memory_space<semaphore_mem>>) src(%dma_wait3A_305 : memref<624x64xf32, #tpu.memory_space<vmem_shared>>) dst(%dma_wait3A_303 : memref<624x64xf32, #tpu.memory_space<hbm>>)
      tpu.yield
    }) : () -> ()
    %eq3A_144 = arith.constant 15 : i32
    %eq3A_145 = arith.cmpi eq, %arg1, %eq3A_144 : i32
    %convert_element_type3A_146 = arith.extui %eq3A_145 : i1 to i32
    %cond3A_147 = arith.constant 0 : i32
    %cond3A_148 = arith.cmpi ne, %convert_element_type3A_146, %cond3A_147 : i32
    scf.if %cond3A_148 {
      %mul3A_298 = arith.constant 10000 : i32
      %mul3A_299 = arith.muli %arg0, %mul3A_298 : i32
      %add3A_300 = arith.constant 9984 : i32
      %add3A_301 = arith.addi %mul3A_299, %add3A_300 : i32
      "tpu.region"() ({
        %run_scoped3A = tpu.sem_alloc : memref<!tpu.dma_semaphore, #tpu.memory_space<semaphore_mem>>
        %dma_start3A_302 = arith.constant 0 : i32
        %dma_start3A_303 = tpu.memref_slice %arg6[%add3A_301, %dma_start3A_302] : memref<20000x64xf32, #tpu.memory_space<hbm>> -> memref<16x64xf32, #tpu.memory_space<hbm>>
        %dma_start3A_304 = arith.constant 9984 : i32
        %dma_start3A_305 = arith.constant 0 : i32
        %dma_start3A_306 = tpu.memref_slice %arg15[%dma_start3A_304, %dma_start3A_305] : memref<10000x64xf32, #tpu.memory_space<vmem_shared>> -> memref<16x64xf32, #tpu.memory_space<vmem_shared>>
        tpu.enqueue_dma source(%dma_start3A_306 : memref<16x64xf32, #tpu.memory_space<vmem_shared>>) target(%dma_start3A_303 : memref<16x64xf32, #tpu.memory_space<hbm>>) target_semaphore(%run_scoped3A : memref<!tpu.dma_semaphore, #tpu.memory_space<semaphore_mem>>)
        %dma_wait3A_307 = arith.constant 0 : i32
        %dma_wait3A_308 = tpu.memref_slice %arg6[%add3A_301, %dma_wait3A_307] : memref<20000x64xf32, #tpu.memory_space<hbm>> -> memref<16x64xf32, #tpu.memory_space<hbm>>
        %dma_wait3A_309 = arith.constant 9984 : i32
        %dma_wait3A_310 = arith.constant 0 : i32
        %dma_wait3A_311 = tpu.memref_slice %arg15[%dma_wait3A_309, %dma_wait3A_310] : memref<10000x64xf32, #tpu.memory_space<vmem_shared>> -> memref<16x64xf32, #tpu.memory_space<vmem_shared>>
        tpu.wait_dma2 semaphore(%run_scoped3A : memref<!tpu.dma_semaphore, #tpu.memory_space<semaphore_mem>>) src(%dma_wait3A_311 : memref<16x64xf32, #tpu.memory_space<vmem_shared>>) dst(%dma_wait3A_308 : memref<16x64xf32, #tpu.memory_space<hbm>>)
        tpu.yield
      }) : () -> ()
    } else {
    }
    %mul3A_149 = arith.constant 624 : i32
    %mul3A_150 = arith.muli %arg1, %mul3A_149 : i32
    %add3A_151 = arith.constant 0 : i32
    %add3A_152 = arith.addi %mul3A_150, %add3A_151 : i32
    "tpu.region"() ({
      %run_scoped3A = tpu.sem_alloc : memref<!tpu.dma_semaphore, #tpu.memory_space<semaphore_mem>>
      %dma_start3A_298 = arith.constant 0 : i32
      %dma_start3A_299 = tpu.memref_slice %arg15[%add3A_152, %dma_start3A_298] : memref<10000x64xf32, #tpu.memory_space<vmem_shared>> -> memref<208x64xf32, #tpu.memory_space<vmem_shared>>
      %dma_start3A_300 = arith.constant 0 : i32
      %dma_start3A_301 = tpu.memref_slice %arg15[%add3A_152, %dma_start3A_300] : memref<10000x64xf32, #tpu.memory_space<vmem_shared>> -> memref<208x64xf32, #tpu.memory_space<vmem_shared>>
      tpu.enqueue_dma source(%arg14 : memref<208x64xf32, #tpu.memory_space<vmem>>) target(%dma_start3A_301 : memref<208x64xf32, #tpu.memory_space<vmem_shared>>) target_semaphore(%run_scoped3A : memref<!tpu.dma_semaphore, #tpu.memory_space<semaphore_mem>>)
      %dma_wait3A_302 = arith.constant 0 : i32
      %dma_wait3A_303 = tpu.memref_slice %arg15[%add3A_152, %dma_wait3A_302] : memref<10000x64xf32, #tpu.memory_space<vmem_shared>> -> memref<208x64xf32, #tpu.memory_space<vmem_shared>>
      %dma_wait3A_304 = arith.constant 0 : i32
      %dma_wait3A_305 = tpu.memref_slice %arg15[%add3A_152, %dma_wait3A_304] : memref<10000x64xf32, #tpu.memory_space<vmem_shared>> -> memref<208x64xf32, #tpu.memory_space<vmem_shared>>
      tpu.wait_dma2 semaphore(%run_scoped3A : memref<!tpu.dma_semaphore, #tpu.memory_space<semaphore_mem>>) src(%arg14 : memref<208x64xf32, #tpu.memory_space<vmem>>) dst(%dma_wait3A_305 : memref<208x64xf32, #tpu.memory_space<vmem_shared>>)
      tpu.yield
    }) : () -> ()
    %mul3A_153 = arith.constant 624 : i32
    %mul3A_154 = arith.muli %arg1, %mul3A_153 : i32
    %add3A_155 = arith.constant 208 : i32
    %add3A_156 = arith.addi %mul3A_154, %add3A_155 : i32
    "tpu.region"() ({
      %run_scoped3A = tpu.sem_alloc : memref<!tpu.dma_semaphore, #tpu.memory_space<semaphore_mem>>
      %dma_start3A_298 = arith.constant 0 : i32
      %dma_start3A_299 = tpu.memref_slice %arg15[%add3A_156, %dma_start3A_298] : memref<10000x64xf32, #tpu.memory_space<vmem_shared>> -> memref<208x64xf32, #tpu.memory_space<vmem_shared>>
      %dma_start3A_300 = arith.constant 0 : i32
      %dma_start3A_301 = tpu.memref_slice %arg15[%add3A_156, %dma_start3A_300] : memref<10000x64xf32, #tpu.memory_space<vmem_shared>> -> memref<208x64xf32, #tpu.memory_space<vmem_shared>>
      tpu.enqueue_dma source(%arg14 : memref<208x64xf32, #tpu.memory_space<vmem>>) target(%dma_start3A_301 : memref<208x64xf32, #tpu.memory_space<vmem_shared>>) target_semaphore(%run_scoped3A : memref<!tpu.dma_semaphore, #tpu.memory_space<semaphore_mem>>)
      %dma_wait3A_302 = arith.constant 0 : i32
      %dma_wait3A_303 = tpu.memref_slice %arg15[%add3A_156, %dma_wait3A_302] : memref<10000x64xf32, #tpu.memory_space<vmem_shared>> -> memref<208x64xf32, #tpu.memory_space<vmem_shared>>
      %dma_wait3A_304 = arith.constant 0 : i32
      %dma_wait3A_305 = tpu.memref_slice %arg15[%add3A_156, %dma_wait3A_304] : memref<10000x64xf32, #tpu.memory_space<vmem_shared>> -> memref<208x64xf32, #tpu.memory_space<vmem_shared>>
      tpu.wait_dma2 semaphore(%run_scoped3A : memref<!tpu.dma_semaphore, #tpu.memory_space<semaphore_mem>>) src(%arg14 : memref<208x64xf32, #tpu.memory_space<vmem>>) dst(%dma_wait3A_305 : memref<208x64xf32, #tpu.memory_space<vmem_shared>>)
      tpu.yield
    }) : () -> ()
    %mul3A_157 = arith.constant 624 : i32
    %mul3A_158 = arith.muli %arg1, %mul3A_157 : i32
    %add3A_159 = arith.constant 416 : i32
    %add3A_160 = arith.addi %mul3A_158, %add3A_159 : i32
    "tpu.region"() ({
      %run_scoped3A = tpu.sem_alloc : memref<!tpu.dma_semaphore, #tpu.memory_space<semaphore_mem>>
      %dma_start3A_298 = arith.constant 0 : i32
      %dma_start3A_299 = tpu.memref_slice %arg15[%add3A_160, %dma_start3A_298] : memref<10000x64xf32, #tpu.memory_space<vmem_shared>> -> memref<208x64xf32, #tpu.memory_space<vmem_shared>>
      %dma_start3A_300 = arith.constant 0 : i32
      %dma_start3A_301 = tpu.memref_slice %arg15[%add3A_160, %dma_start3A_300] : memref<10000x64xf32, #tpu.memory_space<vmem_shared>> -> memref<208x64xf32, #tpu.memory_space<vmem_shared>>
      tpu.enqueue_dma source(%arg14 : memref<208x64xf32, #tpu.memory_space<vmem>>) target(%dma_start3A_301 : memref<208x64xf32, #tpu.memory_space<vmem_shared>>) target_semaphore(%run_scoped3A : memref<!tpu.dma_semaphore, #tpu.memory_space<semaphore_mem>>)
      %dma_wait3A_302 = arith.constant 0 : i32
      %dma_wait3A_303 = tpu.memref_slice %arg15[%add3A_160, %dma_wait3A_302] : memref<10000x64xf32, #tpu.memory_space<vmem_shared>> -> memref<208x64xf32, #tpu.memory_space<vmem_shared>>
      %dma_wait3A_304 = arith.constant 0 : i32
      %dma_wait3A_305 = tpu.memref_slice %arg15[%add3A_160, %dma_wait3A_304] : memref<10000x64xf32, #tpu.memory_space<vmem_shared>> -> memref<208x64xf32, #tpu.memory_space<vmem_shared>>
      tpu.wait_dma2 semaphore(%run_scoped3A : memref<!tpu.dma_semaphore, #tpu.memory_space<semaphore_mem>>) src(%arg14 : memref<208x64xf32, #tpu.memory_space<vmem>>) dst(%dma_wait3A_305 : memref<208x64xf32, #tpu.memory_space<vmem_shared>>)
      tpu.yield
    }) : () -> ()
    %eq3A_161 = arith.constant 15 : i32
    %eq3A_162 = arith.cmpi eq, %arg1, %eq3A_161 : i32
    %convert_element_type3A_163 = arith.extui %eq3A_162 : i1 to i32
    %cond3A_164 = arith.constant 0 : i32
    %cond3A_165 = arith.cmpi ne, %convert_element_type3A_163, %cond3A_164 : i32
    scf.if %cond3A_165 {
      "tpu.region"() ({
        %run_scoped3A = tpu.sem_alloc : memref<!tpu.dma_semaphore, #tpu.memory_space<semaphore_mem>>
        %dma_start3A_298 = arith.constant 0 : i32
        %dma_start3A_299 = arith.constant 0 : i32
        %dma_start3A_300 = tpu.memref_slice %arg14[%dma_start3A_298, %dma_start3A_299] : memref<208x64xf32, #tpu.memory_space<vmem>> -> memref<16x64xf32, #tpu.memory_space<vmem>>
        %dma_start3A_301 = arith.constant 9984 : i32
        %dma_start3A_302 = arith.constant 0 : i32
        %dma_start3A_303 = tpu.memref_slice %arg15[%dma_start3A_301, %dma_start3A_302] : memref<10000x64xf32, #tpu.memory_space<vmem_shared>> -> memref<16x64xf32, #tpu.memory_space<vmem_shared>>
        %dma_start3A_304 = arith.constant 9984 : i32
        %dma_start3A_305 = arith.constant 0 : i32
        %dma_start3A_306 = tpu.memref_slice %arg15[%dma_start3A_304, %dma_start3A_305] : memref<10000x64xf32, #tpu.memory_space<vmem_shared>> -> memref<16x64xf32, #tpu.memory_space<vmem_shared>>
        %dma_start3A_307 = arith.constant 0 : i32
        %dma_start3A_308 = arith.constant 0 : i32
        %dma_start3A_309 = tpu.memref_slice %arg14[%dma_start3A_307, %dma_start3A_308] : memref<208x64xf32, #tpu.memory_space<vmem>> -> memref<16x64xf32, #tpu.memory_space<vmem>>
        tpu.enqueue_dma source(%dma_start3A_309 : memref<16x64xf32, #tpu.memory_space<vmem>>) target(%dma_start3A_306 : memref<16x64xf32, #tpu.memory_space<vmem_shared>>) target_semaphore(%run_scoped3A : memref<!tpu.dma_semaphore, #tpu.memory_space<semaphore_mem>>)
        %dma_wait3A_310 = arith.constant 0 : i32
        %dma_wait3A_311 = arith.constant 0 : i32
        %dma_wait3A_312 = tpu.memref_slice %arg14[%dma_wait3A_310, %dma_wait3A_311] : memref<208x64xf32, #tpu.memory_space<vmem>> -> memref<16x64xf32, #tpu.memory_space<vmem>>
        %dma_wait3A_313 = arith.constant 9984 : i32
        %dma_wait3A_314 = arith.constant 0 : i32
        %dma_wait3A_315 = tpu.memref_slice %arg15[%dma_wait3A_313, %dma_wait3A_314] : memref<10000x64xf32, #tpu.memory_space<vmem_shared>> -> memref<16x64xf32, #tpu.memory_space<vmem_shared>>
        %dma_wait3A_316 = arith.constant 9984 : i32
        %dma_wait3A_317 = arith.constant 0 : i32
        %dma_wait3A_318 = tpu.memref_slice %arg15[%dma_wait3A_316, %dma_wait3A_317] : memref<10000x64xf32, #tpu.memory_space<vmem_shared>> -> memref<16x64xf32, #tpu.memory_space<vmem_shared>>
        %dma_wait3A_319 = arith.constant 0 : i32
        %dma_wait3A_320 = arith.constant 0 : i32
        %dma_wait3A_321 = tpu.memref_slice %arg14[%dma_wait3A_319, %dma_wait3A_320] : memref<208x64xf32, #tpu.memory_space<vmem>> -> memref<16x64xf32, #tpu.memory_space<vmem>>
        tpu.wait_dma2 semaphore(%run_scoped3A : memref<!tpu.dma_semaphore, #tpu.memory_space<semaphore_mem>>) src(%dma_wait3A_321 : memref<16x64xf32, #tpu.memory_space<vmem>>) dst(%dma_wait3A_318 : memref<16x64xf32, #tpu.memory_space<vmem_shared>>)
        tpu.yield
      }) : () -> ()
    } else {
    }
    %barrier3A_166 = arith.constant 0 : index
    tpu.barrier barrier_id(%barrier3A_166)
    %dma_start3A_167 = arith.constant 0 : i32
    %dma_start3A_168 = arith.constant 0 : i32
    %dma_start3A_169 = tpu.memref_slice %arg8[%dma_start3A_167, %dma_start3A_168] : memref<80x125xi32, #tpu.memory_space<vmem>> -> memref<1x125xi32, #tpu.memory_space<vmem>>
    %dma_start3A_170 = tpu.memref_squeeze %dma_start3A_169 : memref<1x125xi32, #tpu.memory_space<vmem>> -> memref<125xi32, #tpu.memory_space<vmem>>
    %dma_start3A_171 = arith.constant 0 : i32
    %dma_start3A_172 = arith.constant 0 : i32
    %dma_start3A_173 = tpu.memref_slice %arg3[%dma_start3A_171, %dma_start3A_172] : memref<10000x64xf32, #tpu.memory_space<hbm>> -> memref<10000x64xf32, #tpu.memory_space<hbm>>
    tpu.enqueue_indirect_dma source(%dma_start3A_173 : memref<10000x64xf32, #tpu.memory_space<hbm>>) target(%arg10 : memref<125x64xf32, #tpu.memory_space<vmem>>) offsets(%dma_start3A_170 : memref<125xi32, #tpu.memory_space<vmem>>) semaphore(%arg16 : memref<!tpu.dma_semaphore, #tpu.memory_space<semaphore_mem>>)
    %dma_start3A_174 = arith.constant 1 : i32
    %dma_start3A_175 = arith.constant 0 : i32
    %dma_start3A_176 = tpu.memref_slice %arg8[%dma_start3A_174, %dma_start3A_175] : memref<80x125xi32, #tpu.memory_space<vmem>> -> memref<1x125xi32, #tpu.memory_space<vmem>>
    %dma_start3A_177 = tpu.memref_squeeze %dma_start3A_176 : memref<1x125xi32, #tpu.memory_space<vmem>> -> memref<125xi32, #tpu.memory_space<vmem>>
    %dma_start3A_178 = arith.constant 0 : i32
    %dma_start3A_179 = arith.constant 0 : i32
    %dma_start3A_180 = tpu.memref_slice %arg3[%dma_start3A_178, %dma_start3A_179] : memref<10000x64xf32, #tpu.memory_space<hbm>> -> memref<10000x64xf32, #tpu.memory_space<hbm>>
    tpu.enqueue_indirect_dma source(%dma_start3A_180 : memref<10000x64xf32, #tpu.memory_space<hbm>>) target(%arg11 : memref<125x64xf32, #tpu.memory_space<vmem>>) offsets(%dma_start3A_177 : memref<125xi32, #tpu.memory_space<vmem>>) semaphore(%arg17 : memref<!tpu.dma_semaphore, #tpu.memory_space<semaphore_mem>>)
    %dma_start3A_181 = arith.constant 2 : i32
    %dma_start3A_182 = arith.constant 0 : i32
    %dma_start3A_183 = tpu.memref_slice %arg8[%dma_start3A_181, %dma_start3A_182] : memref<80x125xi32, #tpu.memory_space<vmem>> -> memref<1x125xi32, #tpu.memory_space<vmem>>
    %dma_start3A_184 = tpu.memref_squeeze %dma_start3A_183 : memref<1x125xi32, #tpu.memory_space<vmem>> -> memref<125xi32, #tpu.memory_space<vmem>>
    %dma_start3A_185 = arith.constant 0 : i32
    %dma_start3A_186 = arith.constant 0 : i32
    %dma_start3A_187 = tpu.memref_slice %arg3[%dma_start3A_185, %dma_start3A_186] : memref<10000x64xf32, #tpu.memory_space<hbm>> -> memref<10000x64xf32, #tpu.memory_space<hbm>>
    tpu.enqueue_indirect_dma source(%dma_start3A_187 : memref<10000x64xf32, #tpu.memory_space<hbm>>) target(%arg12 : memref<125x64xf32, #tpu.memory_space<vmem>>) offsets(%dma_start3A_184 : memref<125xi32, #tpu.memory_space<vmem>>) semaphore(%arg18 : memref<!tpu.dma_semaphore, #tpu.memory_space<semaphore_mem>>)
    %dma_start3A_188 = arith.constant 3 : i32
    %dma_start3A_189 = arith.constant 0 : i32
    %dma_start3A_190 = tpu.memref_slice %arg8[%dma_start3A_188, %dma_start3A_189] : memref<80x125xi32, #tpu.memory_space<vmem>> -> memref<1x125xi32, #tpu.memory_space<vmem>>
    %dma_start3A_191 = tpu.memref_squeeze %dma_start3A_190 : memref<1x125xi32, #tpu.memory_space<vmem>> -> memref<125xi32, #tpu.memory_space<vmem>>
    %dma_start3A_192 = arith.constant 0 : i32
    %dma_start3A_193 = arith.constant 0 : i32
    %dma_start3A_194 = tpu.memref_slice %arg3[%dma_start3A_192, %dma_start3A_193] : memref<10000x64xf32, #tpu.memory_space<hbm>> -> memref<10000x64xf32, #tpu.memory_space<hbm>>
    tpu.enqueue_indirect_dma source(%dma_start3A_194 : memref<10000x64xf32, #tpu.memory_space<hbm>>) target(%arg13 : memref<125x64xf32, #tpu.memory_space<vmem>>) offsets(%dma_start3A_191 : memref<125xi32, #tpu.memory_space<vmem>>) semaphore(%arg19 : memref<!tpu.dma_semaphore, #tpu.memory_space<semaphore_mem>>)
    %scan3A_195 = arith.constant 0 : i32
    %scan3A_196 = arith.constant 0 : i32
    %scan3A_197 = arith.constant 19 : i32
    %scan3A_198 = arith.addi %scan3A_196, %scan3A_197 : i32
    %scan3A_199 = arith.constant 1 : i32
    scf.for %scan3A_298 = %scan3A_196 to %scan3A_198 step %scan3A_199  : i32 {
      %mul3A_299 = arith.constant 4 : i32
      %mul3A_300 = arith.muli %mul3A_299, %scan3A_298 : i32
      %add3A_301 = arith.constant 0 : i32
      %add3A_302 = arith.addi %mul3A_300, %add3A_301 : i32
      %dma_wait3A_303 = arith.constant 0 : i32
      %dma_wait3A_304 = tpu.memref_slice %arg8[%add3A_302, %dma_wait3A_303] : memref<80x125xi32, #tpu.memory_space<vmem>> -> memref<1x125xi32, #tpu.memory_space<vmem>>
      %dma_wait3A_305 = tpu.memref_squeeze %dma_wait3A_304 : memref<1x125xi32, #tpu.memory_space<vmem>> -> memref<125xi32, #tpu.memory_space<vmem>>
      %dma_wait3A_306 = arith.constant 0 : i32
      %dma_wait3A_307 = arith.constant 0 : i32
      %dma_wait3A_308 = tpu.memref_slice %arg3[%dma_wait3A_306, %dma_wait3A_307] : memref<10000x64xf32, #tpu.memory_space<hbm>> -> memref<10000x64xf32, #tpu.memory_space<hbm>>
      tpu.wait_indirect_dma semaphore(%arg16 : memref<!tpu.dma_semaphore, #tpu.memory_space<semaphore_mem>>) src(%dma_wait3A_308 : memref<10000x64xf32, #tpu.memory_space<hbm>>) dst(%arg10 : memref<125x64xf32, #tpu.memory_space<vmem>>)
      %add3A_309 = arith.constant 0 : i32
      %add3A_310 = arith.addi %mul3A_300, %add3A_309 : i32
      %dma_start3A_311 = arith.constant 0 : i32
      %dma_start3A_312 = tpu.memref_slice %arg9[%add3A_310, %dma_start3A_311] : memref<80x125xi32, #tpu.memory_space<vmem>> -> memref<1x125xi32, #tpu.memory_space<vmem>>
      %dma_start3A_313 = tpu.memref_squeeze %dma_start3A_312 : memref<1x125xi32, #tpu.memory_space<vmem>> -> memref<125xi32, #tpu.memory_space<vmem>>
      %dma_start3A_314 = arith.constant 0 : i32
      %dma_start3A_315 = arith.constant 0 : i32
      %dma_start3A_316 = tpu.memref_slice %arg15[%dma_start3A_314, %dma_start3A_315] : memref<10000x64xf32, #tpu.memory_space<vmem_shared>> -> memref<10000x64xf32, #tpu.memory_space<vmem_shared>>
      tpu.enqueue_indirect_dma source(%arg10 : memref<125x64xf32, #tpu.memory_space<vmem>>) target(%dma_start3A_316 : memref<10000x64xf32, #tpu.memory_space<vmem_shared>>) offsets(%dma_start3A_313 : memref<125xi32, #tpu.memory_space<vmem>>) semaphore(%arg20 : memref<!tpu.dma_semaphore, #tpu.memory_space<semaphore_mem>>) {add = true}
      %add3A_317 = arith.constant 1 : i32
      %add3A_318 = arith.addi %mul3A_300, %add3A_317 : i32
      %dma_wait3A_319 = arith.constant 0 : i32
      %dma_wait3A_320 = tpu.memref_slice %arg8[%add3A_318, %dma_wait3A_319] : memref<80x125xi32, #tpu.memory_space<vmem>> -> memref<1x125xi32, #tpu.memory_space<vmem>>
      %dma_wait3A_321 = tpu.memref_squeeze %dma_wait3A_320 : memref<1x125xi32, #tpu.memory_space<vmem>> -> memref<125xi32, #tpu.memory_space<vmem>>
      %dma_wait3A_322 = arith.constant 0 : i32
      %dma_wait3A_323 = arith.constant 0 : i32
      %dma_wait3A_324 = tpu.memref_slice %arg3[%dma_wait3A_322, %dma_wait3A_323] : memref<10000x64xf32, #tpu.memory_space<hbm>> -> memref<10000x64xf32, #tpu.memory_space<hbm>>
      tpu.wait_indirect_dma semaphore(%arg17 : memref<!tpu.dma_semaphore, #tpu.memory_space<semaphore_mem>>) src(%dma_wait3A_324 : memref<10000x64xf32, #tpu.memory_space<hbm>>) dst(%arg11 : memref<125x64xf32, #tpu.memory_space<vmem>>)
      %add3A_325 = arith.constant 1 : i32
      %add3A_326 = arith.addi %mul3A_300, %add3A_325 : i32
      %dma_start3A_327 = arith.constant 0 : i32
      %dma_start3A_328 = tpu.memref_slice %arg9[%add3A_326, %dma_start3A_327] : memref<80x125xi32, #tpu.memory_space<vmem>> -> memref<1x125xi32, #tpu.memory_space<vmem>>
      %dma_start3A_329 = tpu.memref_squeeze %dma_start3A_328 : memref<1x125xi32, #tpu.memory_space<vmem>> -> memref<125xi32, #tpu.memory_space<vmem>>
      %dma_start3A_330 = arith.constant 0 : i32
      %dma_start3A_331 = arith.constant 0 : i32
      %dma_start3A_332 = tpu.memref_slice %arg15[%dma_start3A_330, %dma_start3A_331] : memref<10000x64xf32, #tpu.memory_space<vmem_shared>> -> memref<10000x64xf32, #tpu.memory_space<vmem_shared>>
      tpu.enqueue_indirect_dma source(%arg11 : memref<125x64xf32, #tpu.memory_space<vmem>>) target(%dma_start3A_332 : memref<10000x64xf32, #tpu.memory_space<vmem_shared>>) offsets(%dma_start3A_329 : memref<125xi32, #tpu.memory_space<vmem>>) semaphore(%arg21 : memref<!tpu.dma_semaphore, #tpu.memory_space<semaphore_mem>>) {add = true}
      %add3A_333 = arith.constant 2 : i32
      %add3A_334 = arith.addi %mul3A_300, %add3A_333 : i32
      %dma_wait3A_335 = arith.constant 0 : i32
      %dma_wait3A_336 = tpu.memref_slice %arg8[%add3A_334, %dma_wait3A_335] : memref<80x125xi32, #tpu.memory_space<vmem>> -> memref<1x125xi32, #tpu.memory_space<vmem>>
      %dma_wait3A_337 = tpu.memref_squeeze %dma_wait3A_336 : memref<1x125xi32, #tpu.memory_space<vmem>> -> memref<125xi32, #tpu.memory_space<vmem>>
      %dma_wait3A_338 = arith.constant 0 : i32
      %dma_wait3A_339 = arith.constant 0 : i32
      %dma_wait3A_340 = tpu.memref_slice %arg3[%dma_wait3A_338, %dma_wait3A_339] : memref<10000x64xf32, #tpu.memory_space<hbm>> -> memref<10000x64xf32, #tpu.memory_space<hbm>>
      tpu.wait_indirect_dma semaphore(%arg18 : memref<!tpu.dma_semaphore, #tpu.memory_space<semaphore_mem>>) src(%dma_wait3A_340 : memref<10000x64xf32, #tpu.memory_space<hbm>>) dst(%arg12 : memref<125x64xf32, #tpu.memory_space<vmem>>)
      %add3A_341 = arith.constant 2 : i32
      %add3A_342 = arith.addi %mul3A_300, %add3A_341 : i32
      %dma_start3A_343 = arith.constant 0 : i32
      %dma_start3A_344 = tpu.memref_slice %arg9[%add3A_342, %dma_start3A_343] : memref<80x125xi32, #tpu.memory_space<vmem>> -> memref<1x125xi32, #tpu.memory_space<vmem>>
      %dma_start3A_345 = tpu.memref_squeeze %dma_start3A_344 : memref<1x125xi32, #tpu.memory_space<vmem>> -> memref<125xi32, #tpu.memory_space<vmem>>
      %dma_start3A_346 = arith.constant 0 : i32
      %dma_start3A_347 = arith.constant 0 : i32
      %dma_start3A_348 = tpu.memref_slice %arg15[%dma_start3A_346, %dma_start3A_347] : memref<10000x64xf32, #tpu.memory_space<vmem_shared>> -> memref<10000x64xf32, #tpu.memory_space<vmem_shared>>
      tpu.enqueue_indirect_dma source(%arg12 : memref<125x64xf32, #tpu.memory_space<vmem>>) target(%dma_start3A_348 : memref<10000x64xf32, #tpu.memory_space<vmem_shared>>) offsets(%dma_start3A_345 : memref<125xi32, #tpu.memory_space<vmem>>) semaphore(%arg22 : memref<!tpu.dma_semaphore, #tpu.memory_space<semaphore_mem>>) {add = true}
      %add3A_349 = arith.constant 3 : i32
      %add3A_350 = arith.addi %mul3A_300, %add3A_349 : i32
      %dma_wait3A_351 = arith.constant 0 : i32
      %dma_wait3A_352 = tpu.memref_slice %arg8[%add3A_350, %dma_wait3A_351] : memref<80x125xi32, #tpu.memory_space<vmem>> -> memref<1x125xi32, #tpu.memory_space<vmem>>
      %dma_wait3A_353 = tpu.memref_squeeze %dma_wait3A_352 : memref<1x125xi32, #tpu.memory_space<vmem>> -> memref<125xi32, #tpu.memory_space<vmem>>
      %dma_wait3A_354 = arith.constant 0 : i32
      %dma_wait3A_355 = arith.constant 0 : i32
      %dma_wait3A_356 = tpu.memref_slice %arg3[%dma_wait3A_354, %dma_wait3A_355] : memref<10000x64xf32, #tpu.memory_space<hbm>> -> memref<10000x64xf32, #tpu.memory_space<hbm>>
      tpu.wait_indirect_dma semaphore(%arg19 : memref<!tpu.dma_semaphore, #tpu.memory_space<semaphore_mem>>) src(%dma_wait3A_356 : memref<10000x64xf32, #tpu.memory_space<hbm>>) dst(%arg13 : memref<125x64xf32, #tpu.memory_space<vmem>>)
      %add3A_357 = arith.constant 3 : i32
      %add3A_358 = arith.addi %mul3A_300, %add3A_357 : i32
      %dma_start3A_359 = arith.constant 0 : i32
      %dma_start3A_360 = tpu.memref_slice %arg9[%add3A_358, %dma_start3A_359] : memref<80x125xi32, #tpu.memory_space<vmem>> -> memref<1x125xi32, #tpu.memory_space<vmem>>
      %dma_start3A_361 = tpu.memref_squeeze %dma_start3A_360 : memref<1x125xi32, #tpu.memory_space<vmem>> -> memref<125xi32, #tpu.memory_space<vmem>>
      %dma_start3A_362 = arith.constant 0 : i32
      %dma_start3A_363 = arith.constant 0 : i32
      %dma_start3A_364 = tpu.memref_slice %arg15[%dma_start3A_362, %dma_start3A_363] : memref<10000x64xf32, #tpu.memory_space<vmem_shared>> -> memref<10000x64xf32, #tpu.memory_space<vmem_shared>>
      tpu.enqueue_indirect_dma source(%arg13 : memref<125x64xf32, #tpu.memory_space<vmem>>) target(%dma_start3A_364 : memref<10000x64xf32, #tpu.memory_space<vmem_shared>>) offsets(%dma_start3A_361 : memref<125xi32, #tpu.memory_space<vmem>>) semaphore(%arg23 : memref<!tpu.dma_semaphore, #tpu.memory_space<semaphore_mem>>) {add = true}
      %add3A_365 = arith.constant 0 : i32
      %add3A_366 = arith.addi %mul3A_300, %add3A_365 : i32
      %dma_wait3A_367 = arith.constant 0 : i32
      %dma_wait3A_368 = tpu.memref_slice %arg9[%add3A_366, %dma_wait3A_367] : memref<80x125xi32, #tpu.memory_space<vmem>> -> memref<1x125xi32, #tpu.memory_space<vmem>>
      %dma_wait3A_369 = tpu.memref_squeeze %dma_wait3A_368 : memref<1x125xi32, #tpu.memory_space<vmem>> -> memref<125xi32, #tpu.memory_space<vmem>>
      %dma_wait3A_370 = arith.constant 0 : i32
      %dma_wait3A_371 = arith.constant 0 : i32
      %dma_wait3A_372 = tpu.memref_slice %arg15[%dma_wait3A_370, %dma_wait3A_371] : memref<10000x64xf32, #tpu.memory_space<vmem_shared>> -> memref<10000x64xf32, #tpu.memory_space<vmem_shared>>
      tpu.wait_indirect_dma semaphore(%arg20 : memref<!tpu.dma_semaphore, #tpu.memory_space<semaphore_mem>>) src(%arg10 : memref<125x64xf32, #tpu.memory_space<vmem>>) dst(%dma_wait3A_372 : memref<10000x64xf32, #tpu.memory_space<vmem_shared>>)
      %add3A_373 = arith.constant 4 : i32
      %add3A_374 = arith.addi %mul3A_300, %add3A_373 : i32
      %add3A_375 = arith.constant 0 : i32
      %add3A_376 = arith.addi %add3A_374, %add3A_375 : i32
      %dma_start3A_377 = arith.constant 0 : i32
      %dma_start3A_378 = tpu.memref_slice %arg8[%add3A_376, %dma_start3A_377] : memref<80x125xi32, #tpu.memory_space<vmem>> -> memref<1x125xi32, #tpu.memory_space<vmem>>
      %dma_start3A_379 = tpu.memref_squeeze %dma_start3A_378 : memref<1x125xi32, #tpu.memory_space<vmem>> -> memref<125xi32, #tpu.memory_space<vmem>>
      %dma_start3A_380 = arith.constant 0 : i32
      %dma_start3A_381 = arith.constant 0 : i32
      %dma_start3A_382 = tpu.memref_slice %arg3[%dma_start3A_380, %dma_start3A_381] : memref<10000x64xf32, #tpu.memory_space<hbm>> -> memref<10000x64xf32, #tpu.memory_space<hbm>>
      tpu.enqueue_indirect_dma source(%dma_start3A_382 : memref<10000x64xf32, #tpu.memory_space<hbm>>) target(%arg10 : memref<125x64xf32, #tpu.memory_space<vmem>>) offsets(%dma_start3A_379 : memref<125xi32, #tpu.memory_space<vmem>>) semaphore(%arg16 : memref<!tpu.dma_semaphore, #tpu.memory_space<semaphore_mem>>)
      %add3A_383 = arith.constant 1 : i32
      %add3A_384 = arith.addi %mul3A_300, %add3A_383 : i32
      %dma_wait3A_385 = arith.constant 0 : i32
      %dma_wait3A_386 = tpu.memref_slice %arg9[%add3A_384, %dma_wait3A_385] : memref<80x125xi32, #tpu.memory_space<vmem>> -> memref<1x125xi32, #tpu.memory_space<vmem>>
      %dma_wait3A_387 = tpu.memref_squeeze %dma_wait3A_386 : memref<1x125xi32, #tpu.memory_space<vmem>> -> memref<125xi32, #tpu.memory_space<vmem>>
      %dma_wait3A_388 = arith.constant 0 : i32
      %dma_wait3A_389 = arith.constant 0 : i32
      %dma_wait3A_390 = tpu.memref_slice %arg15[%dma_wait3A_388, %dma_wait3A_389] : memref<10000x64xf32, #tpu.memory_space<vmem_shared>> -> memref<10000x64xf32, #tpu.memory_space<vmem_shared>>
      tpu.wait_indirect_dma semaphore(%arg21 : memref<!tpu.dma_semaphore, #tpu.memory_space<semaphore_mem>>) src(%arg11 : memref<125x64xf32, #tpu.memory_space<vmem>>) dst(%dma_wait3A_390 : memref<10000x64xf32, #tpu.memory_space<vmem_shared>>)
      %add3A_391 = arith.constant 4 : i32
      %add3A_392 = arith.addi %mul3A_300, %add3A_391 : i32
      %add3A_393 = arith.constant 1 : i32
      %add3A_394 = arith.addi %add3A_392, %add3A_393 : i32
      %dma_start3A_395 = arith.constant 0 : i32
      %dma_start3A_396 = tpu.memref_slice %arg8[%add3A_394, %dma_start3A_395] : memref<80x125xi32, #tpu.memory_space<vmem>> -> memref<1x125xi32, #tpu.memory_space<vmem>>
      %dma_start3A_397 = tpu.memref_squeeze %dma_start3A_396 : memref<1x125xi32, #tpu.memory_space<vmem>> -> memref<125xi32, #tpu.memory_space<vmem>>
      %dma_start3A_398 = arith.constant 0 : i32
      %dma_start3A_399 = arith.constant 0 : i32
      %dma_start3A_400 = tpu.memref_slice %arg3[%dma_start3A_398, %dma_start3A_399] : memref<10000x64xf32, #tpu.memory_space<hbm>> -> memref<10000x64xf32, #tpu.memory_space<hbm>>
      tpu.enqueue_indirect_dma source(%dma_start3A_400 : memref<10000x64xf32, #tpu.memory_space<hbm>>) target(%arg11 : memref<125x64xf32, #tpu.memory_space<vmem>>) offsets(%dma_start3A_397 : memref<125xi32, #tpu.memory_space<vmem>>) semaphore(%arg17 : memref<!tpu.dma_semaphore, #tpu.memory_space<semaphore_mem>>)
      %add3A_401 = arith.constant 2 : i32
      %add3A_402 = arith.addi %mul3A_300, %add3A_401 : i32
      %dma_wait3A_403 = arith.constant 0 : i32
      %dma_wait3A_404 = tpu.memref_slice %arg9[%add3A_402, %dma_wait3A_403] : memref<80x125xi32, #tpu.memory_space<vmem>> -> memref<1x125xi32, #tpu.memory_space<vmem>>
      %dma_wait3A_405 = tpu.memref_squeeze %dma_wait3A_404 : memref<1x125xi32, #tpu.memory_space<vmem>> -> memref<125xi32, #tpu.memory_space<vmem>>
      %dma_wait3A_406 = arith.constant 0 : i32
      %dma_wait3A_407 = arith.constant 0 : i32
      %dma_wait3A_408 = tpu.memref_slice %arg15[%dma_wait3A_406, %dma_wait3A_407] : memref<10000x64xf32, #tpu.memory_space<vmem_shared>> -> memref<10000x64xf32, #tpu.memory_space<vmem_shared>>
      tpu.wait_indirect_dma semaphore(%arg22 : memref<!tpu.dma_semaphore, #tpu.memory_space<semaphore_mem>>) src(%arg12 : memref<125x64xf32, #tpu.memory_space<vmem>>) dst(%dma_wait3A_408 : memref<10000x64xf32, #tpu.memory_space<vmem_shared>>)
      %add3A_409 = arith.constant 4 : i32
      %add3A_410 = arith.addi %mul3A_300, %add3A_409 : i32
      %add3A_411 = arith.constant 2 : i32
      %add3A_412 = arith.addi %add3A_410, %add3A_411 : i32
      %dma_start3A_413 = arith.constant 0 : i32
      %dma_start3A_414 = tpu.memref_slice %arg8[%add3A_412, %dma_start3A_413] : memref<80x125xi32, #tpu.memory_space<vmem>> -> memref<1x125xi32, #tpu.memory_space<vmem>>
      %dma_start3A_415 = tpu.memref_squeeze %dma_start3A_414 : memref<1x125xi32, #tpu.memory_space<vmem>> -> memref<125xi32, #tpu.memory_space<vmem>>
      %dma_start3A_416 = arith.constant 0 : i32
      %dma_start3A_417 = arith.constant 0 : i32
      %dma_start3A_418 = tpu.memref_slice %arg3[%dma_start3A_416, %dma_start3A_417] : memref<10000x64xf32, #tpu.memory_space<hbm>> -> memref<10000x64xf32, #tpu.memory_space<hbm>>
      tpu.enqueue_indirect_dma source(%dma_start3A_418 : memref<10000x64xf32, #tpu.memory_space<hbm>>) target(%arg12 : memref<125x64xf32, #tpu.memory_space<vmem>>) offsets(%dma_start3A_415 : memref<125xi32, #tpu.memory_space<vmem>>) semaphore(%arg18 : memref<!tpu.dma_semaphore, #tpu.memory_space<semaphore_mem>>)
      %add3A_419 = arith.constant 3 : i32
      %add3A_420 = arith.addi %mul3A_300, %add3A_419 : i32
      %dma_wait3A_421 = arith.constant 0 : i32
      %dma_wait3A_422 = tpu.memref_slice %arg9[%add3A_420, %dma_wait3A_421] : memref<80x125xi32, #tpu.memory_space<vmem>> -> memref<1x125xi32, #tpu.memory_space<vmem>>
      %dma_wait3A_423 = tpu.memref_squeeze %dma_wait3A_422 : memref<1x125xi32, #tpu.memory_space<vmem>> -> memref<125xi32, #tpu.memory_space<vmem>>
      %dma_wait3A_424 = arith.constant 0 : i32
      %dma_wait3A_425 = arith.constant 0 : i32
      %dma_wait3A_426 = tpu.memref_slice %arg15[%dma_wait3A_424, %dma_wait3A_425] : memref<10000x64xf32, #tpu.memory_space<vmem_shared>> -> memref<10000x64xf32, #tpu.memory_space<vmem_shared>>
      tpu.wait_indirect_dma semaphore(%arg23 : memref<!tpu.dma_semaphore, #tpu.memory_space<semaphore_mem>>) src(%arg13 : memref<125x64xf32, #tpu.memory_space<vmem>>) dst(%dma_wait3A_426 : memref<10000x64xf32, #tpu.memory_space<vmem_shared>>)
      %add3A_427 = arith.constant 4 : i32
      %add3A_428 = arith.addi %mul3A_300, %add3A_427 : i32
      %add3A_429 = arith.constant 3 : i32
      %add3A_430 = arith.addi %add3A_428, %add3A_429 : i32
      %dma_start3A_431 = arith.constant 0 : i32
      %dma_start3A_432 = tpu.memref_slice %arg8[%add3A_430, %dma_start3A_431] : memref<80x125xi32, #tpu.memory_space<vmem>> -> memref<1x125xi32, #tpu.memory_space<vmem>>
      %dma_start3A_433 = tpu.memref_squeeze %dma_start3A_432 : memref<1x125xi32, #tpu.memory_space<vmem>> -> memref<125xi32, #tpu.memory_space<vmem>>
      %dma_start3A_434 = arith.constant 0 : i32
      %dma_start3A_435 = arith.constant 0 : i32
      %dma_start3A_436 = tpu.memref_slice %arg3[%dma_start3A_434, %dma_start3A_435] : memref<10000x64xf32, #tpu.memory_space<hbm>> -> memref<10000x64xf32, #tpu.memory_space<hbm>>
      tpu.enqueue_indirect_dma source(%dma_start3A_436 : memref<10000x64xf32, #tpu.memory_space<hbm>>) target(%arg13 : memref<125x64xf32, #tpu.memory_space<vmem>>) offsets(%dma_start3A_433 : memref<125xi32, #tpu.memory_space<vmem>>) semaphore(%arg19 : memref<!tpu.dma_semaphore, #tpu.memory_space<semaphore_mem>>)
    }
    %scan3A_200 = arith.constant 19 : i32
    %dma_wait3A_201 = arith.constant 76 : i32
    %dma_wait3A_202 = arith.constant 0 : i32
    %dma_wait3A_203 = tpu.memref_slice %arg8[%dma_wait3A_201, %dma_wait3A_202] : memref<80x125xi32, #tpu.memory_space<vmem>> -> memref<1x125xi32, #tpu.memory_space<vmem>>
    %dma_wait3A_204 = tpu.memref_squeeze %dma_wait3A_203 : memref<1x125xi32, #tpu.memory_space<vmem>> -> memref<125xi32, #tpu.memory_space<vmem>>
    %dma_wait3A_205 = arith.constant 0 : i32
    %dma_wait3A_206 = arith.constant 0 : i32
    %dma_wait3A_207 = tpu.memref_slice %arg3[%dma_wait3A_205, %dma_wait3A_206] : memref<10000x64xf32, #tpu.memory_space<hbm>> -> memref<10000x64xf32, #tpu.memory_space<hbm>>
    tpu.wait_indirect_dma semaphore(%arg16 : memref<!tpu.dma_semaphore, #tpu.memory_space<semaphore_mem>>) src(%dma_wait3A_207 : memref<10000x64xf32, #tpu.memory_space<hbm>>) dst(%arg10 : memref<125x64xf32, #tpu.memory_space<vmem>>)
    %dma_start3A_208 = arith.constant 76 : i32
    %dma_start3A_209 = arith.constant 0 : i32
    %dma_start3A_210 = tpu.memref_slice %arg9[%dma_start3A_208, %dma_start3A_209] : memref<80x125xi32, #tpu.memory_space<vmem>> -> memref<1x125xi32, #tpu.memory_space<vmem>>
    %dma_start3A_211 = tpu.memref_squeeze %dma_start3A_210 : memref<1x125xi32, #tpu.memory_space<vmem>> -> memref<125xi32, #tpu.memory_space<vmem>>
    %dma_start3A_212 = arith.constant 0 : i32
    %dma_start3A_213 = arith.constant 0 : i32
    %dma_start3A_214 = tpu.memref_slice %arg15[%dma_start3A_212, %dma_start3A_213] : memref<10000x64xf32, #tpu.memory_space<vmem_shared>> -> memref<10000x64xf32, #tpu.memory_space<vmem_shared>>
    tpu.enqueue_indirect_dma source(%arg10 : memref<125x64xf32, #tpu.memory_space<vmem>>) target(%dma_start3A_214 : memref<10000x64xf32, #tpu.memory_space<vmem_shared>>) offsets(%dma_start3A_211 : memref<125xi32, #tpu.memory_space<vmem>>) semaphore(%arg20 : memref<!tpu.dma_semaphore, #tpu.memory_space<semaphore_mem>>) {add = true}
    %dma_wait3A_215 = arith.constant 77 : i32
    %dma_wait3A_216 = arith.constant 0 : i32
    %dma_wait3A_217 = tpu.memref_slice %arg8[%dma_wait3A_215, %dma_wait3A_216] : memref<80x125xi32, #tpu.memory_space<vmem>> -> memref<1x125xi32, #tpu.memory_space<vmem>>
    %dma_wait3A_218 = tpu.memref_squeeze %dma_wait3A_217 : memref<1x125xi32, #tpu.memory_space<vmem>> -> memref<125xi32, #tpu.memory_space<vmem>>
    %dma_wait3A_219 = arith.constant 0 : i32
    %dma_wait3A_220 = arith.constant 0 : i32
    %dma_wait3A_221 = tpu.memref_slice %arg3[%dma_wait3A_219, %dma_wait3A_220] : memref<10000x64xf32, #tpu.memory_space<hbm>> -> memref<10000x64xf32, #tpu.memory_space<hbm>>
    tpu.wait_indirect_dma semaphore(%arg17 : memref<!tpu.dma_semaphore, #tpu.memory_space<semaphore_mem>>) src(%dma_wait3A_221 : memref<10000x64xf32, #tpu.memory_space<hbm>>) dst(%arg11 : memref<125x64xf32, #tpu.memory_space<vmem>>)
    %dma_start3A_222 = arith.constant 77 : i32
    %dma_start3A_223 = arith.constant 0 : i32
    %dma_start3A_224 = tpu.memref_slice %arg9[%dma_start3A_222, %dma_start3A_223] : memref<80x125xi32, #tpu.memory_space<vmem>> -> memref<1x125xi32, #tpu.memory_space<vmem>>
    %dma_start3A_225 = tpu.memref_squeeze %dma_start3A_224 : memref<1x125xi32, #tpu.memory_space<vmem>> -> memref<125xi32, #tpu.memory_space<vmem>>
    %dma_start3A_226 = arith.constant 0 : i32
    %dma_start3A_227 = arith.constant 0 : i32
    %dma_start3A_228 = tpu.memref_slice %arg15[%dma_start3A_226, %dma_start3A_227] : memref<10000x64xf32, #tpu.memory_space<vmem_shared>> -> memref<10000x64xf32, #tpu.memory_space<vmem_shared>>
    tpu.enqueue_indirect_dma source(%arg11 : memref<125x64xf32, #tpu.memory_space<vmem>>) target(%dma_start3A_228 : memref<10000x64xf32, #tpu.memory_space<vmem_shared>>) offsets(%dma_start3A_225 : memref<125xi32, #tpu.memory_space<vmem>>) semaphore(%arg21 : memref<!tpu.dma_semaphore, #tpu.memory_space<semaphore_mem>>) {add = true}
    %dma_wait3A_229 = arith.constant 78 : i32
    %dma_wait3A_230 = arith.constant 0 : i32
    %dma_wait3A_231 = tpu.memref_slice %arg8[%dma_wait3A_229, %dma_wait3A_230] : memref<80x125xi32, #tpu.memory_space<vmem>> -> memref<1x125xi32, #tpu.memory_space<vmem>>
    %dma_wait3A_232 = tpu.memref_squeeze %dma_wait3A_231 : memref<1x125xi32, #tpu.memory_space<vmem>> -> memref<125xi32, #tpu.memory_space<vmem>>
    %dma_wait3A_233 = arith.constant 0 : i32
    %dma_wait3A_234 = arith.constant 0 : i32
    %dma_wait3A_235 = tpu.memref_slice %arg3[%dma_wait3A_233, %dma_wait3A_234] : memref<10000x64xf32, #tpu.memory_space<hbm>> -> memref<10000x64xf32, #tpu.memory_space<hbm>>
    tpu.wait_indirect_dma semaphore(%arg18 : memref<!tpu.dma_semaphore, #tpu.memory_space<semaphore_mem>>) src(%dma_wait3A_235 : memref<10000x64xf32, #tpu.memory_space<hbm>>) dst(%arg12 : memref<125x64xf32, #tpu.memory_space<vmem>>)
    %dma_start3A_236 = arith.constant 78 : i32
    %dma_start3A_237 = arith.constant 0 : i32
    %dma_start3A_238 = tpu.memref_slice %arg9[%dma_start3A_236, %dma_start3A_237] : memref<80x125xi32, #tpu.memory_space<vmem>> -> memref<1x125xi32, #tpu.memory_space<vmem>>
    %dma_start3A_239 = tpu.memref_squeeze %dma_start3A_238 : memref<1x125xi32, #tpu.memory_space<vmem>> -> memref<125xi32, #tpu.memory_space<vmem>>
    %dma_start3A_240 = arith.constant 0 : i32
    %dma_start3A_241 = arith.constant 0 : i32
    %dma_start3A_242 = tpu.memref_slice %arg15[%dma_start3A_240, %dma_start3A_241] : memref<10000x64xf32, #tpu.memory_space<vmem_shared>> -> memref<10000x64xf32, #tpu.memory_space<vmem_shared>>
    tpu.enqueue_indirect_dma source(%arg12 : memref<125x64xf32, #tpu.memory_space<vmem>>) target(%dma_start3A_242 : memref<10000x64xf32, #tpu.memory_space<vmem_shared>>) offsets(%dma_start3A_239 : memref<125xi32, #tpu.memory_space<vmem>>) semaphore(%arg22 : memref<!tpu.dma_semaphore, #tpu.memory_space<semaphore_mem>>) {add = true}
    %dma_wait3A_243 = arith.constant 79 : i32
    %dma_wait3A_244 = arith.constant 0 : i32
    %dma_wait3A_245 = tpu.memref_slice %arg8[%dma_wait3A_243, %dma_wait3A_244] : memref<80x125xi32, #tpu.memory_space<vmem>> -> memref<1x125xi32, #tpu.memory_space<vmem>>
    %dma_wait3A_246 = tpu.memref_squeeze %dma_wait3A_245 : memref<1x125xi32, #tpu.memory_space<vmem>> -> memref<125xi32, #tpu.memory_space<vmem>>
    %dma_wait3A_247 = arith.constant 0 : i32
    %dma_wait3A_248 = arith.constant 0 : i32
    %dma_wait3A_249 = tpu.memref_slice %arg3[%dma_wait3A_247, %dma_wait3A_248] : memref<10000x64xf32, #tpu.memory_space<hbm>> -> memref<10000x64xf32, #tpu.memory_space<hbm>>
    tpu.wait_indirect_dma semaphore(%arg19 : memref<!tpu.dma_semaphore, #tpu.memory_space<semaphore_mem>>) src(%dma_wait3A_249 : memref<10000x64xf32, #tpu.memory_space<hbm>>) dst(%arg13 : memref<125x64xf32, #tpu.memory_space<vmem>>)
    %dma_start3A_250 = arith.constant 79 : i32
    %dma_start3A_251 = arith.constant 0 : i32
    %dma_start3A_252 = tpu.memref_slice %arg9[%dma_start3A_250, %dma_start3A_251] : memref<80x125xi32, #tpu.memory_space<vmem>> -> memref<1x125xi32, #tpu.memory_space<vmem>>
    %dma_start3A_253 = tpu.memref_squeeze %dma_start3A_252 : memref<1x125xi32, #tpu.memory_space<vmem>> -> memref<125xi32, #tpu.memory_space<vmem>>
    %dma_start3A_254 = arith.constant 0 : i32
    %dma_start3A_255 = arith.constant 0 : i32
    %dma_start3A_256 = tpu.memref_slice %arg15[%dma_start3A_254, %dma_start3A_255] : memref<10000x64xf32, #tpu.memory_space<vmem_shared>> -> memref<10000x64xf32, #tpu.memory_space<vmem_shared>>
    tpu.enqueue_indirect_dma source(%arg13 : memref<125x64xf32, #tpu.memory_space<vmem>>) target(%dma_start3A_256 : memref<10000x64xf32, #tpu.memory_space<vmem_shared>>) offsets(%dma_start3A_253 : memref<125xi32, #tpu.memory_space<vmem>>) semaphore(%arg23 : memref<!tpu.dma_semaphore, #tpu.memory_space<semaphore_mem>>) {add = true}
    %dma_wait3A_257 = arith.constant 76 : i32
    %dma_wait3A_258 = arith.constant 0 : i32
    %dma_wait3A_259 = tpu.memref_slice %arg9[%dma_wait3A_257, %dma_wait3A_258] : memref<80x125xi32, #tpu.memory_space<vmem>> -> memref<1x125xi32, #tpu.memory_space<vmem>>
    %dma_wait3A_260 = tpu.memref_squeeze %dma_wait3A_259 : memref<1x125xi32, #tpu.memory_space<vmem>> -> memref<125xi32, #tpu.memory_space<vmem>>
    %dma_wait3A_261 = arith.constant 0 : i32
    %dma_wait3A_262 = arith.constant 0 : i32
    %dma_wait3A_263 = tpu.memref_slice %arg15[%dma_wait3A_261, %dma_wait3A_262] : memref<10000x64xf32, #tpu.memory_space<vmem_shared>> -> memref<10000x64xf32, #tpu.memory_space<vmem_shared>>
    tpu.wait_indirect_dma semaphore(%arg20 : memref<!tpu.dma_semaphore, #tpu.memory_space<semaphore_mem>>) src(%arg10 : memref<125x64xf32, #tpu.memory_space<vmem>>) dst(%dma_wait3A_263 : memref<10000x64xf32, #tpu.memory_space<vmem_shared>>)
    %dma_wait3A_264 = arith.constant 77 : i32
    %dma_wait3A_265 = arith.constant 0 : i32
    %dma_wait3A_266 = tpu.memref_slice %arg9[%dma_wait3A_264, %dma_wait3A_265] : memref<80x125xi32, #tpu.memory_space<vmem>> -> memref<1x125xi32, #tpu.memory_space<vmem>>
    %dma_wait3A_267 = tpu.memref_squeeze %dma_wait3A_266 : memref<1x125xi32, #tpu.memory_space<vmem>> -> memref<125xi32, #tpu.memory_space<vmem>>
    %dma_wait3A_268 = arith.constant 0 : i32
    %dma_wait3A_269 = arith.constant 0 : i32
    %dma_wait3A_270 = tpu.memref_slice %arg15[%dma_wait3A_268, %dma_wait3A_269] : memref<10000x64xf32, #tpu.memory_space<vmem_shared>> -> memref<10000x64xf32, #tpu.memory_space<vmem_shared>>
    tpu.wait_indirect_dma semaphore(%arg21 : memref<!tpu.dma_semaphore, #tpu.memory_space<semaphore_mem>>) src(%arg11 : memref<125x64xf32, #tpu.memory_space<vmem>>) dst(%dma_wait3A_270 : memref<10000x64xf32, #tpu.memory_space<vmem_shared>>)
    %dma_wait3A_271 = arith.constant 78 : i32
    %dma_wait3A_272 = arith.constant 0 : i32
    %dma_wait3A_273 = tpu.memref_slice %arg9[%dma_wait3A_271, %dma_wait3A_272] : memref<80x125xi32, #tpu.memory_space<vmem>> -> memref<1x125xi32, #tpu.memory_space<vmem>>
    %dma_wait3A_274 = tpu.memref_squeeze %dma_wait3A_273 : memref<1x125xi32, #tpu.memory_space<vmem>> -> memref<125xi32, #tpu.memory_space<vmem>>
    %dma_wait3A_275 = arith.constant 0 : i32
    %dma_wait3A_276 = arith.constant 0 : i32
    %dma_wait3A_277 = tpu.memref_slice %arg15[%dma_wait3A_275, %dma_wait3A_276] : memref<10000x64xf32, #tpu.memory_space<vmem_shared>> -> memref<10000x64xf32, #tpu.memory_space<vmem_shared>>
    tpu.wait_indirect_dma semaphore(%arg22 : memref<!tpu.dma_semaphore, #tpu.memory_space<semaphore_mem>>) src(%arg12 : memref<125x64xf32, #tpu.memory_space<vmem>>) dst(%dma_wait3A_277 : memref<10000x64xf32, #tpu.memory_space<vmem_shared>>)
    %dma_wait3A_278 = arith.constant 79 : i32
    %dma_wait3A_279 = arith.constant 0 : i32
    %dma_wait3A_280 = tpu.memref_slice %arg9[%dma_wait3A_278, %dma_wait3A_279] : memref<80x125xi32, #tpu.memory_space<vmem>> -> memref<1x125xi32, #tpu.memory_space<vmem>>
    %dma_wait3A_281 = tpu.memref_squeeze %dma_wait3A_280 : memref<1x125xi32, #tpu.memory_space<vmem>> -> memref<125xi32, #tpu.memory_space<vmem>>
    %dma_wait3A_282 = arith.constant 0 : i32
    %dma_wait3A_283 = arith.constant 0 : i32
    %dma_wait3A_284 = tpu.memref_slice %arg15[%dma_wait3A_282, %dma_wait3A_283] : memref<10000x64xf32, #tpu.memory_space<vmem_shared>> -> memref<10000x64xf32, #tpu.memory_space<vmem_shared>>
    tpu.wait_indirect_dma semaphore(%arg23 : memref<!tpu.dma_semaphore, #tpu.memory_space<semaphore_mem>>) src(%arg13 : memref<125x64xf32, #tpu.memory_space<vmem>>) dst(%dma_wait3A_284 : memref<10000x64xf32, #tpu.memory_space<vmem_shared>>)
    %barrier3A_285 = arith.constant 0 : index
    tpu.barrier barrier_id(%barrier3A_285)
    %mul3A_286 = arith.constant 624 : i32
    %mul3A_287 = arith.muli %arg1, %mul3A_286 : i32
    %mul3A_288 = arith.constant 10000 : i32
    %mul3A_289 = arith.muli %arg0, %mul3A_288 : i32
    %mul3A_290 = arith.constant 624 : i32
    %mul3A_291 = arith.muli %arg1, %mul3A_290 : i32
    %add3A_292 = arith.addi %mul3A_289, %mul3A_291 : i32
    "tpu.region"() ({
      %run_scoped3A = tpu.sem_alloc : memref<!tpu.dma_semaphore, #tpu.memory_space<semaphore_mem>>
      %dma_start3A_298 = arith.constant 0 : i32
      %dma_start3A_299 = tpu.memref_slice %arg7[%add3A_292, %dma_start3A_298] : memref<20000x64xf32, #tpu.memory_space<hbm>> -> memref<624x64xf32, #tpu.memory_space<hbm>>
      %dma_start3A_300 = arith.constant 0 : i32
      %dma_start3A_301 = tpu.memref_slice %arg15[%mul3A_287, %dma_start3A_300] : memref<10000x64xf32, #tpu.memory_space<vmem_shared>> -> memref<624x64xf32, #tpu.memory_space<vmem_shared>>
      tpu.enqueue_dma source(%dma_start3A_301 : memref<624x64xf32, #tpu.memory_space<vmem_shared>>) target(%dma_start3A_299 : memref<624x64xf32, #tpu.memory_space<hbm>>) target_semaphore(%run_scoped3A : memref<!tpu.dma_semaphore, #tpu.memory_space<semaphore_mem>>)
      %dma_wait3A_302 = arith.constant 0 : i32
      %dma_wait3A_303 = tpu.memref_slice %arg7[%add3A_292, %dma_wait3A_302] : memref<20000x64xf32, #tpu.memory_space<hbm>> -> memref<624x64xf32, #tpu.memory_space<hbm>>
      %dma_wait3A_304 = arith.constant 0 : i32
      %dma_wait3A_305 = tpu.memref_slice %arg15[%mul3A_287, %dma_wait3A_304] : memref<10000x64xf32, #tpu.memory_space<vmem_shared>> -> memref<624x64xf32, #tpu.memory_space<vmem_shared>>
      tpu.wait_dma2 semaphore(%run_scoped3A : memref<!tpu.dma_semaphore, #tpu.memory_space<semaphore_mem>>) src(%dma_wait3A_305 : memref<624x64xf32, #tpu.memory_space<vmem_shared>>) dst(%dma_wait3A_303 : memref<624x64xf32, #tpu.memory_space<hbm>>)
      tpu.yield
    }) : () -> ()
    %eq3A_293 = arith.constant 15 : i32
    %eq3A_294 = arith.cmpi eq, %arg1, %eq3A_293 : i32
    %convert_element_type3A_295 = arith.extui %eq3A_294 : i1 to i32
    %cond3A_296 = arith.constant 0 : i32
    %cond3A_297 = arith.cmpi ne, %convert_element_type3A_295, %cond3A_296 : i32
    scf.if %cond3A_297 {
      %mul3A_298 = arith.constant 10000 : i32
      %mul3A_299 = arith.muli %arg0, %mul3A_298 : i32
      %add3A_300 = arith.constant 9984 : i32
      %add3A_301 = arith.addi %mul3A_299, %add3A_300 : i32
      "tpu.region"() ({
        %run_scoped3A = tpu.sem_alloc : memref<!tpu.dma_semaphore, #tpu.memory_space<semaphore_mem>>
        %dma_start3A_302 = arith.constant 0 : i32
        %dma_start3A_303 = tpu.memref_slice %arg7[%add3A_301, %dma_start3A_302] : memref<20000x64xf32, #tpu.memory_space<hbm>> -> memref<16x64xf32, #tpu.memory_space<hbm>>
        %dma_start3A_304 = arith.constant 9984 : i32
        %dma_start3A_305 = arith.constant 0 : i32
        %dma_start3A_306 = tpu.memref_slice %arg15[%dma_start3A_304, %dma_start3A_305] : memref<10000x64xf32, #tpu.memory_space<vmem_shared>> -> memref<16x64xf32, #tpu.memory_space<vmem_shared>>
        tpu.enqueue_dma source(%dma_start3A_306 : memref<16x64xf32, #tpu.memory_space<vmem_shared>>) target(%dma_start3A_303 : memref<16x64xf32, #tpu.memory_space<hbm>>) target_semaphore(%run_scoped3A : memref<!tpu.dma_semaphore, #tpu.memory_space<semaphore_mem>>)
        %dma_wait3A_307 = arith.constant 0 : i32
        %dma_wait3A_308 = tpu.memref_slice %arg7[%add3A_301, %dma_wait3A_307] : memref<20000x64xf32, #tpu.memory_space<hbm>> -> memref<16x64xf32, #tpu.memory_space<hbm>>
        %dma_wait3A_309 = arith.constant 9984 : i32
        %dma_wait3A_310 = arith.constant 0 : i32
        %dma_wait3A_311 = tpu.memref_slice %arg15[%dma_wait3A_309, %dma_wait3A_310] : memref<10000x64xf32, #tpu.memory_space<vmem_shared>> -> memref<16x64xf32, #tpu.memory_space<vmem_shared>>
        tpu.wait_dma2 semaphore(%run_scoped3A : memref<!tpu.dma_semaphore, #tpu.memory_space<semaphore_mem>>) src(%dma_wait3A_311 : memref<16x64xf32, #tpu.memory_space<vmem_shared>>) dst(%dma_wait3A_308 : memref<16x64xf32, #tpu.memory_space<hbm>>)
        tpu.yield
      }) : () -> ()
    } else {
    }
    return
  }
}

module attributes {stable_mosaic.version = 14 : i64} {
  func.func @_dinv_body(%arg0: memref<32x10000xf32, #tpu.memory_space<vmem>>, %arg1: memref<1x10000xf32, #tpu.memory_space<vmem>>) attributes {dimension_semantics = [], scalar_prefetch = 0 : i64, scratch_operands = 0 : i64, tpu.core_type = #tpu.core_type<tc>} {
    %get3A = arith.constant 0 : index
    %get3A_0 = arith.constant 0 : index
    %get3A_1 = vector.load %arg0[%get3A, %get3A_0] : memref<32x10000xf32, #tpu.memory_space<vmem>>, vector<32x10000xf32>
    %reduce_sum3A = arith.constant dense<0.000000e+00> : vector<10000xf32>
    %reduce_sum3A_2 = vector.multi_reduction <add>, %get3A_1, %reduce_sum3A [0] : vector<32x10000xf32> to vector<10000xf32>
    %broadcast_in_dim3A = vector.shape_cast %reduce_sum3A_2 : vector<10000xf32> to vector<1x10000xf32>
    %add3A = arith.constant 1.000000e+00 : f32
    %add3A_3 = vector.broadcast %add3A : f32 to vector<1x10000xf32>
    %add3A_4 = arith.addf %broadcast_in_dim3A, %add3A_3 : vector<1x10000xf32>
    %rsqrt3A = math.rsqrt %add3A_4 : vector<1x10000xf32>
    %swap3A = arith.constant 0 : index
    %swap3A_5 = arith.constant 0 : index
    %swap3A_6 = vector.load %arg1[%swap3A, %swap3A_5] : memref<1x10000xf32, #tpu.memory_space<vmem>>, vector<1x10000xf32>
    tpu.vector_store %arg1[%swap3A, %swap3A_5], %rsqrt3A {strides = array<i32>} : memref<1x10000xf32, #tpu.memory_space<vmem>>, vector<1x10000xf32>,
    return
  }
}

module attributes {stable_mosaic.version = 14 : i64} {
  func.func @_mm_scale_body(%arg0: i32, %arg1: memref<400x128xf32, #tpu.memory_space<vmem>>, %arg2: memref<128x128xf32, #tpu.memory_space<vmem>>, %arg3: memref<400x1xf32, #tpu.memory_space<vmem>>, %arg4: memref<400x64xf32, #tpu.memory_space<vmem>>, %arg5: memref<400x64xf32, #tpu.memory_space<vmem>>) attributes {dimension_semantics = [#tpu.dimension_semantics<arbitrary>], iteration_bounds = array<i64: 25>, scalar_prefetch = 0 : i64, scratch_operands = 0 : i64, tpu.core_type = #tpu.core_type<tc>, window_params = [{transform_indices = @transform_0, window_bounds = array<i64: 400, 128>}, {pipeline_mode = #tpu.pipeline_mode<synchronous>, transform_indices = @transform_1, window_bounds = array<i64: 128, 128>}, {transform_indices = @transform_2, window_bounds = array<i64: 400, 1>}, {transform_indices = @transform_3, window_bounds = array<i64: 400, 64>}, {transform_indices = @transform_4, window_bounds = array<i64: 400, 64>}]} {
    %get3A = arith.constant 0 : index
    %get3A_0 = arith.constant 0 : index
    %get3A_1 = vector.load %arg1[%get3A, %get3A_0] : memref<400x128xf32, #tpu.memory_space<vmem>>, vector<400x128xf32>
    %get3A_2 = arith.constant 0 : index
    %get3A_3 = arith.constant 0 : index
    %get3A_4 = vector.load %arg2[%get3A_2, %get3A_3] : memref<128x128xf32, #tpu.memory_space<vmem>>, vector<128x128xf32>
    %dot_general3A = arith.constant dense<0.000000e+00> : vector<400x128xf32>
    %dot_general3A_5 = tpu.matmul %get3A_1, %get3A_4, %dot_general3A {dimension_numbers = #tpu.dot_dimension_numbers<[1], [0], [0], [1], [0, 0, 1, 1], [], []>, transpose_lhs_hint = false} : vector<400x128xf32>, vector<128x128xf32>, vector<400x128xf32> -> vector<400x128xf32>
    %get3A_6 = arith.constant 0 : index
    %get3A_7 = arith.constant 0 : index
    %get3A_8 = vector.load %arg3[%get3A_6, %get3A_7] : memref<400x1xf32, #tpu.memory_space<vmem>>, vector<400x1xf32>
    %mul3A = vector.broadcast %get3A_8 : vector<400x1xf32> to vector<400x128xf32>
    %mul3A_9 = arith.mulf %dot_general3A_5, %mul3A : vector<400x128xf32>
    %slice3A = vector.extract_strided_slice %mul3A_9 {offsets = [0, 0], sizes = [400, 64], strides = [1, 1]} : vector<400x128xf32> to vector<400x64xf32>
    %swap3A = arith.constant 0 : index
    %swap3A_10 = arith.constant 0 : index
    %swap3A_11 = vector.load %arg4[%swap3A, %swap3A_10] : memref<400x64xf32, #tpu.memory_space<vmem>>, vector<400x64xf32>
    tpu.vector_store %arg4[%swap3A, %swap3A_10], %slice3A {strides = array<i32>} : memref<400x64xf32, #tpu.memory_space<vmem>>, vector<400x64xf32>,
    %slice3A_12 = vector.extract_strided_slice %mul3A_9 {offsets = [0, 64], sizes = [400, 64], strides = [1, 1]} : vector<400x128xf32> to vector<400x64xf32>
    %swap3A_13 = arith.constant 0 : index
    %swap3A_14 = arith.constant 0 : index
    %swap3A_15 = vector.load %arg5[%swap3A_13, %swap3A_14] : memref<400x64xf32, #tpu.memory_space<vmem>>, vector<400x64xf32>
    tpu.vector_store %arg5[%swap3A_13, %swap3A_14], %slice3A_12 {strides = array<i32>} : memref<400x64xf32, #tpu.memory_space<vmem>>, vector<400x64xf32>,
    return
  }
  func.func @transform_0(%arg0: i32) -> (i32, i32) {
    %c0_i32 = arith.constant 0 : i32
    %c0_i32_0 = arith.constant 0 : i32
    return %arg0, %c0_i32 : i32, i32
  }
  func.func @transform_1(%arg0: i32) -> (i32, i32) {
    %c0_i32 = arith.constant 0 : i32
    %c0_i32_0 = arith.constant 0 : i32
    %c0_i32_1 = arith.constant 0 : i32
    return %c0_i32, %c0_i32_0 : i32, i32
  }
  func.func @transform_2(%arg0: i32) -> (i32, i32) {
    %c0_i32 = arith.constant 0 : i32
    %c0_i32_0 = arith.constant 0 : i32
    return %arg0, %c0_i32 : i32, i32
  }
  func.func @transform_3(%arg0: i32) -> (i32, i32) {
    %c0_i32 = arith.constant 0 : i32
    %c0_i32_0 = arith.constant 0 : i32
    return %arg0, %c0_i32 : i32, i32
  }
  func.func @transform_4(%arg0: i32) -> (i32, i32) {
    %c0_i32 = arith.constant 0 : i32
    %c0_i32_0 = arith.constant 0 : i32
    return %arg0, %c0_i32 : i32, i32
  }
}

module attributes {stable_mosaic.version = 14 : i64} {
  func.func @_layer_body(%arg0: i32, %arg1: memref<400x64xf32, #tpu.memory_space<vmem>>, %arg2: memref<400x64xf32, #tpu.memory_space<vmem>>, %arg3: memref<400x64xf32, #tpu.memory_space<vmem>>, %arg4: memref<400x64xf32, #tpu.memory_space<vmem>>, %arg5: memref<400x64xf32, #tpu.memory_space<vmem>>, %arg6: memref<400x64xf32, #tpu.memory_space<vmem>>, %arg7: memref<400x1xf32, #tpu.memory_space<vmem>>, %arg8: memref<1x128xf32, #tpu.memory_space<vmem>>, %arg9: memref<128x128xf32, #tpu.memory_space<vmem>>, %arg10: memref<1x1xf32, #tpu.memory_space<vmem>>, %arg11: memref<1x1xf32, #tpu.memory_space<vmem>>, %arg12: memref<400x64xf32, #tpu.memory_space<vmem>>, %arg13: memref<400x64xf32, #tpu.memory_space<vmem>>) attributes {dimension_semantics = [#tpu.dimension_semantics<arbitrary>], iteration_bounds = array<i64: 25>, scalar_prefetch = 0 : i64, scratch_operands = 0 : i64, tpu.core_type = #tpu.core_type<tc>, window_params = [{transform_indices = @transform_0, window_bounds = array<i64: 400, 64>}, {transform_indices = @transform_1, window_bounds = array<i64: 400, 64>}, {transform_indices = @transform_2, window_bounds = array<i64: 400, 64>}, {transform_indices = @transform_3, window_bounds = array<i64: 400, 64>}, {transform_indices = @transform_4, window_bounds = array<i64: 400, 64>}, {transform_indices = @transform_5, window_bounds = array<i64: 400, 64>}, {transform_indices = @transform_6, window_bounds = array<i64: 400, 1>}, {pipeline_mode = #tpu.pipeline_mode<synchronous>, transform_indices = @transform_7, window_bounds = array<i64: 1, 128>}, {pipeline_mode = #tpu.pipeline_mode<synchronous>, transform_indices = @transform_8, window_bounds = array<i64: 128, 128>}, {pipeline_mode = #tpu.pipeline_mode<synchronous>, transform_indices = @transform_9, window_bounds = array<i64: 1, 1>}, {pipeline_mode = #tpu.pipeline_mode<synchronous>, transform_indices = @transform_10, window_bounds = array<i64: 1, 1>}, {transform_indices = @transform_11, window_bounds = array<i64: 400, 64>}, {transform_indices = @transform_12, window_bounds = array<i64: 400, 64>}]} {
    %get3A = arith.constant 0 : index
    %get3A_0 = arith.constant 0 : index
    %get3A_1 = vector.load %arg7[%get3A, %get3A_0] : memref<400x1xf32, #tpu.memory_space<vmem>>, vector<400x1xf32>
    %get3A_2 = arith.constant 0 : index
    %get3A_3 = arith.constant 0 : index
    %get3A_4 = vector.load %arg8[%get3A_2, %get3A_3] : memref<1x128xf32, #tpu.memory_space<vmem>>, vector<1x128xf32>
    %get3A_5 = arith.constant 0 : index
    %get3A_6 = arith.constant 0 : index
    %get3A_7 = vector.load %arg1[%get3A_5, %get3A_6] : memref<400x64xf32, #tpu.memory_space<vmem>>, vector<400x64xf32>
    %get3A_8 = arith.constant 0 : index
    %get3A_9 = arith.constant 0 : index
    %get3A_10 = vector.load %arg2[%get3A_8, %get3A_9] : memref<400x64xf32, #tpu.memory_space<vmem>>, vector<400x64xf32>
    %add3A = arith.addf %get3A_7, %get3A_10 : vector<400x64xf32>
    %get3A_11 = arith.constant 0 : index
    %get3A_12 = arith.constant 0 : index
    %get3A_13 = vector.load %arg5[%get3A_11, %get3A_12] : memref<400x64xf32, #tpu.memory_space<vmem>>, vector<400x64xf32>
    %add3A_14 = arith.addf %add3A, %get3A_13 : vector<400x64xf32>
    %mul3A = vector.broadcast %get3A_1 : vector<400x1xf32> to vector<400x64xf32>
    %mul3A_15 = arith.mulf %mul3A, %add3A_14 : vector<400x64xf32>
    %slice3A = vector.extract_strided_slice %get3A_4 {offsets = [0, 0], sizes = [1, 64], strides = [1, 1]} : vector<1x128xf32> to vector<1x64xf32>
    %add3A_16 = vector.broadcast %slice3A : vector<1x64xf32> to vector<400x64xf32>
    %add3A_17 = arith.addf %mul3A_15, %add3A_16 : vector<400x64xf32>
    %get3A_18 = arith.constant 0 : index
    %get3A_19 = arith.constant 0 : index
    %get3A_20 = vector.load %arg3[%get3A_18, %get3A_19] : memref<400x64xf32, #tpu.memory_space<vmem>>, vector<400x64xf32>
    %get3A_21 = arith.constant 0 : index
    %get3A_22 = arith.constant 0 : index
    %get3A_23 = vector.load %arg4[%get3A_21, %get3A_22] : memref<400x64xf32, #tpu.memory_space<vmem>>, vector<400x64xf32>
    %add3A_24 = arith.addf %get3A_20, %get3A_23 : vector<400x64xf32>
    %get3A_25 = arith.constant 0 : index
    %get3A_26 = arith.constant 0 : index
    %get3A_27 = vector.load %arg6[%get3A_25, %get3A_26] : memref<400x64xf32, #tpu.memory_space<vmem>>, vector<400x64xf32>
    %add3A_28 = arith.addf %add3A_24, %get3A_27 : vector<400x64xf32>
    %mul3A_29 = vector.broadcast %get3A_1 : vector<400x1xf32> to vector<400x64xf32>
    %mul3A_30 = arith.mulf %mul3A_29, %add3A_28 : vector<400x64xf32>
    %slice3A_31 = vector.extract_strided_slice %get3A_4 {offsets = [0, 64], sizes = [1, 64], strides = [1, 1]} : vector<1x128xf32> to vector<1x64xf32>
    %add3A_32 = vector.broadcast %slice3A_31 : vector<1x64xf32> to vector<400x64xf32>
    %add3A_33 = arith.addf %mul3A_30, %add3A_32 : vector<400x64xf32>
    %concatenate3A = tpu.concatenate %add3A_17, %add3A_33 in 1 : vector<400x64xf32>, vector<400x64xf32> -> vector<400x128xf32>
    %get3A_34 = arith.constant 0 : index
    %get3A_35 = arith.constant 0 : index
    %get3A_36 = vector.load %arg10[%get3A_34, %get3A_35] : memref<1x1xf32, #tpu.memory_space<vmem>>, vector<1x1xf32>
    %get3A_37 = vector.extract %get3A_36[0, 0] : f32 from vector<1x1xf32>
    %gt3A = arith.constant 0.000000e+00 : f32
    %gt3A_38 = arith.cmpf ogt, %get3A_37, %gt3A : f32
    %max3A = arith.constant 0.000000e+00 : f32
    %max3A_39 = vector.broadcast %max3A : f32 to vector<400x128xf32>
    %max3A_40 = arith.maximumf %concatenate3A, %max3A_39 : vector<400x128xf32>
    %select_n3A = arith.select %gt3A_38, %max3A_40, %concatenate3A : vector<400x128xf32>
    %get3A_41 = arith.constant 0 : index
    %get3A_42 = arith.constant 0 : index
    %get3A_43 = vector.load %arg9[%get3A_41, %get3A_42] : memref<128x128xf32, #tpu.memory_space<vmem>>, vector<128x128xf32>
    %dot_general3A = arith.constant dense<0.000000e+00> : vector<400x128xf32>
    %dot_general3A_44 = tpu.matmul %select_n3A, %get3A_43, %dot_general3A {dimension_numbers = #tpu.dot_dimension_numbers<[1], [0], [0], [1], [0, 0, 1, 1], [], []>, transpose_lhs_hint = false} : vector<400x128xf32>, vector<128x128xf32>, vector<400x128xf32> -> vector<400x128xf32>
    %get3A_45 = arith.constant 0 : index
    %get3A_46 = arith.constant 0 : index
    %get3A_47 = vector.load %arg11[%get3A_45, %get3A_46] : memref<1x1xf32, #tpu.memory_space<vmem>>, vector<1x1xf32>
    %get3A_48 = vector.extract %get3A_47[0, 0] : f32 from vector<1x1xf32>
    %gt3A_49 = arith.constant 0.000000e+00 : f32
    %gt3A_50 = arith.cmpf ogt, %get3A_48, %gt3A_49 : f32
    %broadcast_in_dim3A = arith.constant 1.000000e+00 : f32
    %broadcast_in_dim3A_51 = vector.broadcast %broadcast_in_dim3A : f32 to vector<400x1xf32>
    %select_n3A_52 = arith.select %gt3A_50, %get3A_1, %broadcast_in_dim3A_51 : vector<400x1xf32>
    %mul3A_53 = vector.broadcast %select_n3A_52 : vector<400x1xf32> to vector<400x128xf32>
    %mul3A_54 = arith.mulf %dot_general3A_44, %mul3A_53 : vector<400x128xf32>
    %slice3A_55 = vector.extract_strided_slice %mul3A_54 {offsets = [0, 0], sizes = [400, 64], strides = [1, 1]} : vector<400x128xf32> to vector<400x64xf32>
    %swap3A = arith.constant 0 : index
    %swap3A_56 = arith.constant 0 : index
    %swap3A_57 = vector.load %arg12[%swap3A, %swap3A_56] : memref<400x64xf32, #tpu.memory_space<vmem>>, vector<400x64xf32>
    tpu.vector_store %arg12[%swap3A, %swap3A_56], %slice3A_55 {strides = array<i32>} : memref<400x64xf32, #tpu.memory_space<vmem>>, vector<400x64xf32>,
    %slice3A_58 = vector.extract_strided_slice %mul3A_54 {offsets = [0, 64], sizes = [400, 64], strides = [1, 1]} : vector<400x128xf32> to vector<400x64xf32>
    %swap3A_59 = arith.constant 0 : index
    %swap3A_60 = arith.constant 0 : index
    %swap3A_61 = vector.load %arg13[%swap3A_59, %swap3A_60] : memref<400x64xf32, #tpu.memory_space<vmem>>, vector<400x64xf32>
    tpu.vector_store %arg13[%swap3A_59, %swap3A_60], %slice3A_58 {strides = array<i32>} : memref<400x64xf32, #tpu.memory_space<vmem>>, vector<400x64xf32>,
    return
  }
  func.func @transform_0(%arg0: i32) -> (i32, i32) {
    %c0_i32 = arith.constant 0 : i32
    %c0_i32_0 = arith.constant 0 : i32
    return %arg0, %c0_i32 : i32, i32
  }
  func.func @transform_1(%arg0: i32) -> (i32, i32) {
    %add3A = arith.constant 25 : i32
    %add3A_0 = arith.addi %arg0, %add3A : i32
    %c0_i32 = arith.constant 0 : i32
    %c0_i32_1 = arith.constant 0 : i32
    return %add3A_0, %c0_i32 : i32, i32
  }
  func.func @transform_2(%arg0: i32) -> (i32, i32) {
    %c0_i32 = arith.constant 0 : i32
    %c0_i32_0 = arith.constant 0 : i32
    return %arg0, %c0_i32 : i32, i32
  }
  func.func @transform_3(%arg0: i32) -> (i32, i32) {
    %add3A = arith.constant 25 : i32
    %add3A_0 = arith.addi %arg0, %add3A : i32
    %c0_i32 = arith.constant 0 : i32
    %c0_i32_1 = arith.constant 0 : i32
    return %add3A_0, %c0_i32 : i32, i32
  }
  func.func @transform_4(%arg0: i32) -> (i32, i32) {
    %c0_i32 = arith.constant 0 : i32
    %c0_i32_0 = arith.constant 0 : i32
    return %arg0, %c0_i32 : i32, i32
  }
  func.func @transform_5(%arg0: i32) -> (i32, i32) {
    %c0_i32 = arith.constant 0 : i32
    %c0_i32_0 = arith.constant 0 : i32
    return %arg0, %c0_i32 : i32, i32
  }
  func.func @transform_6(%arg0: i32) -> (i32, i32) {
    %c0_i32 = arith.constant 0 : i32
    %c0_i32_0 = arith.constant 0 : i32
    return %arg0, %c0_i32 : i32, i32
  }
  func.func @transform_7(%arg0: i32) -> (i32, i32) {
    %c0_i32 = arith.constant 0 : i32
    %c0_i32_0 = arith.constant 0 : i32
    %c0_i32_1 = arith.constant 0 : i32
    return %c0_i32, %c0_i32_0 : i32, i32
  }
  func.func @transform_8(%arg0: i32) -> (i32, i32) {
    %c0_i32 = arith.constant 0 : i32
    %c0_i32_0 = arith.constant 0 : i32
    %c0_i32_1 = arith.constant 0 : i32
    return %c0_i32, %c0_i32_0 : i32, i32
  }
  func.func @transform_9(%arg0: i32) -> (i32, i32) {
    %c0_i32 = arith.constant 0 : i32
    %c0_i32_0 = arith.constant 0 : i32
    %c0_i32_1 = arith.constant 0 : i32
    return %c0_i32, %c0_i32_0 : i32, i32
  }
  func.func @transform_10(%arg0: i32) -> (i32, i32) {
    %c0_i32 = arith.constant 0 : i32
    %c0_i32_0 = arith.constant 0 : i32
    %c0_i32_1 = arith.constant 0 : i32
    return %c0_i32, %c0_i32_0 : i32, i32
  }
  func.func @transform_11(%arg0: i32) -> (i32, i32) {
    %c0_i32 = arith.constant 0 : i32
    %c0_i32_0 = arith.constant 0 : i32
    return %arg0, %c0_i32 : i32, i32
  }
  func.func @transform_12(%arg0: i32) -> (i32, i32) {
    %c0_i32 = arith.constant 0 : i32
    %c0_i32_0 = arith.constant 0 : i32
    return %arg0, %c0_i32 : i32, i32
  }
}

module attributes {stable_mosaic.version = 14 : i64} {
  func.func @_pool_body(%arg0: i32, %arg1: memref<400x64xf32, #tpu.memory_space<vmem>>, %arg2: memref<400x64xf32, #tpu.memory_space<vmem>>, %arg3: memref<1x1x400xi32, #tpu.memory_space<vmem>>, %arg4: memref<128x128xf32, #tpu.memory_space<vmem>>, %arg5: memref<1x128xf32, #tpu.memory_space<vmem>>, %arg6: memref<128x10xf32, #tpu.memory_space<vmem>>, %arg7: memref<1x10xf32, #tpu.memory_space<vmem>>, %arg8: memref<16x10xf32, #tpu.memory_space<vmem>>, %arg9: memref<16x128xf32, #tpu.memory_space<vmem>>, %arg10: memref<16x1xf32, #tpu.memory_space<vmem>>) attributes {dimension_semantics = [#tpu.dimension_semantics<arbitrary>], iteration_bounds = array<i64: 25>, scalar_prefetch = 0 : i64, scratch_operands = 2 : i64, tpu.core_type = #tpu.core_type<tc>, window_params = [{transform_indices = @transform_0, window_bounds = array<i64: 400, 64>}, {transform_indices = @transform_1, window_bounds = array<i64: 400, 64>}, {transform_indices = @transform_2, window_bounds = array<i64: 1, 1, 400>}, {pipeline_mode = #tpu.pipeline_mode<synchronous>, transform_indices = @transform_3, window_bounds = array<i64: 128, 128>}, {pipeline_mode = #tpu.pipeline_mode<synchronous>, transform_indices = @transform_4, window_bounds = array<i64: 1, 128>}, {pipeline_mode = #tpu.pipeline_mode<synchronous>, transform_indices = @transform_5, window_bounds = array<i64: 128, 10>}, {pipeline_mode = #tpu.pipeline_mode<synchronous>, transform_indices = @transform_6, window_bounds = array<i64: 1, 10>}, {pipeline_mode = #tpu.pipeline_mode<synchronous>, transform_indices = @transform_7, window_bounds = array<i64: 16, 10>}]} {
    %eq3A = arith.constant 0 : i32
    %eq3A_0 = arith.cmpi eq, %arg0, %eq3A : i32
    %convert_element_type3A = arith.extui %eq3A_0 : i1 to i32
    %cond3A = arith.constant 0 : i32
    %cond3A_1 = arith.cmpi ne, %convert_element_type3A, %cond3A : i32
    scf.if %cond3A_1 {
      %broadcast_in_dim3A_35 = arith.constant 0.000000e+00 : f32
      %broadcast_in_dim3A_36 = vector.broadcast %broadcast_in_dim3A_35 : f32 to vector<16x128xf32>
      %swap3A_37 = arith.constant 0 : index
      %swap3A_38 = arith.constant 0 : index
      %swap3A_39 = vector.load %arg9[%swap3A_37, %swap3A_38] : memref<16x128xf32, #tpu.memory_space<vmem>>, vector<16x128xf32>
      tpu.vector_store %arg9[%swap3A_37, %swap3A_38], %broadcast_in_dim3A_36 {strides = array<i32>} : memref<16x128xf32, #tpu.memory_space<vmem>>, vector<16x128xf32>,
      %broadcast_in_dim3A_40 = arith.constant 0.000000e+00 : f32
      %broadcast_in_dim3A_41 = vector.broadcast %broadcast_in_dim3A_40 : f32 to vector<16x1xf32>
      %swap3A_42 = arith.constant 0 : index
      %swap3A_43 = arith.constant 0 : index
      %swap3A_44 = vector.load %arg10[%swap3A_42, %swap3A_43] : memref<16x1xf32, #tpu.memory_space<vmem>>, vector<16x1xf32>
      tpu.vector_store %arg10[%swap3A_42, %swap3A_43], %broadcast_in_dim3A_41 {strides = array<i32>} : memref<16x1xf32, #tpu.memory_space<vmem>>, vector<16x1xf32>,
    } else {
    }
    %get3A = arith.constant 0 : index
    %get3A_2 = arith.constant 0 : index
    %get3A_3 = vector.load %arg1[%get3A, %get3A_2] : memref<400x64xf32, #tpu.memory_space<vmem>>, vector<400x64xf32>
    %get3A_4 = arith.constant 0 : index
    %get3A_5 = arith.constant 0 : index
    %get3A_6 = vector.load %arg2[%get3A_4, %get3A_5] : memref<400x64xf32, #tpu.memory_space<vmem>>, vector<400x64xf32>
    %concatenate3A = tpu.concatenate %get3A_3, %get3A_6 in 1 : vector<400x64xf32>, vector<400x64xf32> -> vector<400x128xf32>
    %get3A_7 = arith.constant 0 : index
    %get3A_8 = arith.constant 0 : index
    %get3A_9 = arith.constant 0 : index
    %get3A_10 = vector.load %arg3[%get3A_7, %get3A_8, %get3A_9] : memref<1x1x400xi32, #tpu.memory_space<vmem>>, vector<1x1x400xi32>
    %get3A_11 = vector.shape_cast %get3A_10 : vector<1x1x400xi32> to vector<1x400xi32>
    %iota3A = tpu.iota {dimensions = array<i32: 0>} : vector<16x400xi32>
    %eq3A_12 = vector.broadcast %get3A_11 : vector<1x400xi32> to vector<16x400xi32>
    %eq3A_13 = arith.cmpi eq, %eq3A_12, %iota3A : vector<16x400xi32>
    %convert_element_type3A_14 = arith.extui %eq3A_13 : vector<16x400xi1> to vector<16x400xi32>
    %convert_element_type3A_15 = arith.sitofp %convert_element_type3A_14 : vector<16x400xi32> to vector<16x400xf32>
    %get3A_16 = arith.constant 0 : index
    %get3A_17 = arith.constant 0 : index
    %get3A_18 = vector.load %arg9[%get3A_16, %get3A_17] : memref<16x128xf32, #tpu.memory_space<vmem>>, vector<16x128xf32>
    %dot_general3A = arith.constant dense<0.000000e+00> : vector<16x128xf32>
    %dot_general3A_19 = tpu.matmul %convert_element_type3A_15, %concatenate3A, %dot_general3A {dimension_numbers = #tpu.dot_dimension_numbers<[1], [0], [0], [1], [0, 0, 1, 1], [], []>, transpose_lhs_hint = false} : vector<16x400xf32>, vector<400x128xf32>, vector<16x128xf32> -> vector<16x128xf32>
    %add3A = arith.addf %get3A_18, %dot_general3A_19 : vector<16x128xf32>
    %swap3A = arith.constant 0 : index
    %swap3A_20 = arith.constant 0 : index
    %swap3A_21 = vector.load %arg9[%swap3A, %swap3A_20] : memref<16x128xf32, #tpu.memory_space<vmem>>, vector<16x128xf32>
    tpu.vector_store %arg9[%swap3A, %swap3A_20], %add3A {strides = array<i32>} : memref<16x128xf32, #tpu.memory_space<vmem>>, vector<16x128xf32>,
    %get3A_22 = arith.constant 0 : index
    %get3A_23 = arith.constant 0 : index
    %get3A_24 = vector.load %arg10[%get3A_22, %get3A_23] : memref<16x1xf32, #tpu.memory_space<vmem>>, vector<16x1xf32>
    %reduce_sum3A = arith.constant dense<0.000000e+00> : vector<16xf32>
    %reduce_sum3A_25 = vector.multi_reduction <add>, %convert_element_type3A_15, %reduce_sum3A [1] : vector<16x400xf32> to vector<16xf32>
    %broadcast_in_dim3A = vector.shape_cast %reduce_sum3A_25 : vector<16xf32> to vector<16x1xf32>
    %add3A_26 = arith.addf %get3A_24, %broadcast_in_dim3A : vector<16x1xf32>
    %swap3A_27 = arith.constant 0 : index
    %swap3A_28 = arith.constant 0 : index
    %swap3A_29 = vector.load %arg10[%swap3A_27, %swap3A_28] : memref<16x1xf32, #tpu.memory_space<vmem>>, vector<16x1xf32>
    tpu.vector_store %arg10[%swap3A_27, %swap3A_28], %add3A_26 {strides = array<i32>} : memref<16x1xf32, #tpu.memory_space<vmem>>, vector<16x1xf32>,
    %eq3A_30 = arith.constant 24 : i32
    %eq3A_31 = arith.cmpi eq, %arg0, %eq3A_30 : i32
    %convert_element_type3A_32 = arith.extui %eq3A_31 : i1 to i32
    %cond3A_33 = arith.constant 0 : i32
    %cond3A_34 = arith.cmpi ne, %convert_element_type3A_32, %cond3A_33 : i32
    scf.if %cond3A_34 {
      %get3A_35 = arith.constant 0 : index
      %get3A_36 = arith.constant 0 : index
      %get3A_37 = vector.load %arg9[%get3A_35, %get3A_36] : memref<16x128xf32, #tpu.memory_space<vmem>>, vector<16x128xf32>
      %get3A_38 = arith.constant 0 : index
      %get3A_39 = arith.constant 0 : index
      %get3A_40 = vector.load %arg10[%get3A_38, %get3A_39] : memref<16x1xf32, #tpu.memory_space<vmem>>, vector<16x1xf32>
      %max3A = arith.constant 1.000000e+00 : f32
      %max3A_41 = vector.broadcast %max3A : f32 to vector<16x1xf32>
      %max3A_42 = arith.maximumf %get3A_40, %max3A_41 : vector<16x1xf32>
      %div3A = vector.broadcast %max3A_42 : vector<16x1xf32> to vector<16x128xf32>
      %div3A_43 = arith.divf %get3A_37, %div3A : vector<16x128xf32>
      %get3A_44 = arith.constant 0 : index
      %get3A_45 = arith.constant 0 : index
      %get3A_46 = vector.load %arg4[%get3A_44, %get3A_45] : memref<128x128xf32, #tpu.memory_space<vmem>>, vector<128x128xf32>
      %dot_general3A_47 = arith.constant dense<0.000000e+00> : vector<16x128xf32>
      %dot_general3A_48 = tpu.matmul %div3A_43, %get3A_46, %dot_general3A_47 {dimension_numbers = #tpu.dot_dimension_numbers<[1], [0], [0], [1], [0, 0, 1, 1], [], []>, transpose_lhs_hint = false} : vector<16x128xf32>, vector<128x128xf32>, vector<16x128xf32> -> vector<16x128xf32>
      %get3A_49 = arith.constant 0 : index
      %get3A_50 = arith.constant 0 : index
      %get3A_51 = vector.load %arg5[%get3A_49, %get3A_50] : memref<1x128xf32, #tpu.memory_space<vmem>>, vector<1x128xf32>
      %add3A_52 = vector.broadcast %get3A_51 : vector<1x128xf32> to vector<16x128xf32>
      %add3A_53 = arith.addf %dot_general3A_48, %add3A_52 : vector<16x128xf32>
      %max3A_54 = arith.constant 0.000000e+00 : f32
      %max3A_55 = vector.broadcast %max3A_54 : f32 to vector<16x128xf32>
      %max3A_56 = arith.maximumf %add3A_53, %max3A_55 : vector<16x128xf32>
      %get3A_57 = arith.constant 0 : index
      %get3A_58 = arith.constant 0 : index
      %get3A_59 = vector.load %arg6[%get3A_57, %get3A_58] : memref<128x10xf32, #tpu.memory_space<vmem>>, vector<128x10xf32>
      %dot_general3A_60 = arith.constant dense<0.000000e+00> : vector<16x10xf32>
      %dot_general3A_61 = tpu.matmul %max3A_56, %get3A_59, %dot_general3A_60 {dimension_numbers = #tpu.dot_dimension_numbers<[1], [0], [0], [1], [0, 0, 1, 1], [], []>, transpose_lhs_hint = false} : vector<16x128xf32>, vector<128x10xf32>, vector<16x10xf32> -> vector<16x10xf32>
      %get3A_62 = arith.constant 0 : index
      %get3A_63 = arith.constant 0 : index
      %get3A_64 = vector.load %arg7[%get3A_62, %get3A_63] : memref<1x10xf32, #tpu.memory_space<vmem>>, vector<1x10xf32>
      %add3A_65 = vector.broadcast %get3A_64 : vector<1x10xf32> to vector<16x10xf32>
      %add3A_66 = arith.addf %dot_general3A_61, %add3A_65 : vector<16x10xf32>
      %swap3A_67 = arith.constant 0 : index
      %swap3A_68 = arith.constant 0 : index
      %swap3A_69 = vector.load %arg8[%swap3A_67, %swap3A_68] : memref<16x10xf32, #tpu.memory_space<vmem>>, vector<16x10xf32>
      tpu.vector_store %arg8[%swap3A_67, %swap3A_68], %add3A_66 {strides = array<i32>} : memref<16x10xf32, #tpu.memory_space<vmem>>, vector<16x10xf32>,
    } else {
    }
    return
  }
  func.func @transform_0(%arg0: i32) -> (i32, i32) {
    %c0_i32 = arith.constant 0 : i32
    %c0_i32_0 = arith.constant 0 : i32
    return %arg0, %c0_i32 : i32, i32
  }
  func.func @transform_1(%arg0: i32) -> (i32, i32) {
    %c0_i32 = arith.constant 0 : i32
    %c0_i32_0 = arith.constant 0 : i32
    return %arg0, %c0_i32 : i32, i32
  }
  func.func @transform_2(%arg0: i32) -> (i32, i32, i32) {
    %c0_i32 = arith.constant 0 : i32
    %c0_i32_0 = arith.constant 0 : i32
    %c0_i32_1 = arith.constant 0 : i32
    return %arg0, %c0_i32, %c0_i32_0 : i32, i32, i32
  }
  func.func @transform_3(%arg0: i32) -> (i32, i32) {
    %c0_i32 = arith.constant 0 : i32
    %c0_i32_0 = arith.constant 0 : i32
    %c0_i32_1 = arith.constant 0 : i32
    return %c0_i32, %c0_i32_0 : i32, i32
  }
  func.func @transform_4(%arg0: i32) -> (i32, i32) {
    %c0_i32 = arith.constant 0 : i32
    %c0_i32_0 = arith.constant 0 : i32
    %c0_i32_1 = arith.constant 0 : i32
    return %c0_i32, %c0_i32_0 : i32, i32
  }
  func.func @transform_5(%arg0: i32) -> (i32, i32) {
    %c0_i32 = arith.constant 0 : i32
    %c0_i32_0 = arith.constant 0 : i32
    %c0_i32_1 = arith.constant 0 : i32
    return %c0_i32, %c0_i32_0 : i32, i32
  }
  func.func @transform_6(%arg0: i32) -> (i32, i32) {
    %c0_i32 = arith.constant 0 : i32
    %c0_i32_0 = arith.constant 0 : i32
    %c0_i32_1 = arith.constant 0 : i32
    return %c0_i32, %c0_i32_0 : i32, i32
  }
  func.func @transform_7(%arg0: i32) -> (i32, i32) {
    %c0_i32 = arith.constant 0 : i32
    %c0_i32_0 = arith.constant 0 : i32
    %c0_i32_1 = arith.constant 0 : i32
    return %c0_i32, %c0_i32_0 : i32, i32
  }
}

</mosaic_0001>

<sc_bundles>
// kernel: closed_call.13.cloned.1.call-start
scs
__scs_entry_jumppad:
0x0: {  	(pc) =	sbr.rel $0x88, $3  }
0x1: {  	(tag) =	ssettag $0x0;
	lr =	simm.s32 $0x1  }
0x2: {  	[smem:$0x3F94] =	sst lr;
	_ =	strace $0xD0000000  }
0x3: {  	_ = 	snop  }
0x4: {  	_ = 	snop  }
0x5: {  	_ = 	snop  }
0x6: {  	_ = 	snop  }
0x7: {  	_ = 	snop  }
__scs_overlays_trampoline_lowered:
0x8: {  	[smem:$0x3FA3] =	sst s0  }
0x9: {  	[smem:$0x3FA4] =	sst s1  }
0xa: {  	[smem:$0x3FA5] =	sst s2  }
0xb: {  	[smem:$0x3FA6] =	sst s3  }
0xc: {  	[smem:$0x3FA7] =	sst s4  }
0xd: {  	[smem:$0x3FA8] =	sst s5  }
0xe: {  	[smem:$0x3FA9] =	sst s6  }
0xf: {  	[smem:$0x3FAA] =	sst s7  }
0x10: {  	[smem:$0x3FAB] =	sst s8  }
0x11: {  	[smem:$0x3FAC] =	sst s9;
	s0 =	simm.s32 @!p0 $0x0  }
0x12: {  	s1 =	sld [smem:$0x3F92];
	s0 =	simm.s32 @p0 $0x1  }
0x13: {  	[smem:$0x3FAD] =	sst s0;
	s0 =	simm.s32 @!p1 $0x0  }
0x14: {  	s2 =	sld [smem:$0x3F91];
	s0 =	simm.s32 @p1 $0x1  }
0x15: {  	[smem:$0x3FAE] =	sst s0;
	s0 =	simm.s32 @!p2 $0x0  }
0x16: {  	s3 =	sld [smem:$0x3FDB];
	s0 =	simm.s32 @p2 $0x1  }
0x17: {  	s4 =	simm.s32 $0x1BF5;
	[smem:$0x3FB0] =	sst s0  }
0x18: {  	s0 =	sld [smem:$0x3F93];
	_ =	swait.ge [sflag:s4], $0x0  }
0x19: {  	s7 =	sld [smem:$0x3F94]  }
0x1a: {  	s8 =	sadd.s32 $0xFFFFE003, lr  }
0x1b: {  	s9 =	sadd.s32 $0xFFFFFEF7, lr;
	s5 =	simm.s32 $0xFFFFFFFF;
	p2 =	slt.u32 s8, $0xFFFFF086  }
0x1c: {  	p1 =	slt.u32 s9, $0xF7A;
	s5 =	simm.s32 @!p2 $0x0  }
0x1d: {  	s5 =	simm.s32 @p1 $0x1;
	p0 =	seq.s32 s7, s2  }
0x1e: {  	s7 =	smul.u32 @!p0 $0xF7A, s2;
	p2 =	seq.s32 @!p0 s5, $0x0  }
0x1f: {  	s9 =	smul.u32 $0xF7A, s1;
	s8 =	simm.s32 @!p0 $0x1BF5;
	p2 =	por !p2, p0  }
0x20: {  	[sflag:s8] =	ssyncset.s32 @!p0 $0xFFFFF086;
	s6 =	sadd.s32 @!p0 s3, s7;
	s7 =	simm.s32 @!p0 $0x108  }
0x21: {  	s3 =	sadd.s32 s3, s9;
	s6 =	sadd.s32 @!p0 $0x88, s6;
	s7 =	simm.s32 @p2 $0x1082  }
0x22: {  	[simem:s7], [sflag:s8] =	dma.local @!p0 [hbm:s6], $0xF7A  }
0x23: {  	s9 =	sor.u32 $0xD0000000, s2;
	s6 =	simm.s32 $0x108;
	_ =	swait.ge @!p0 [sflag:s8], $0x0  }
0x24: {  	s3 =	sadd.s32 $0x88, s3;
	s6 =	simm.s32 @!p1 $0x1082;
	[sflag:s4] =	ssyncset.s32 $0xFFFFF086  }
0x25: {  	[simem:s6], [sflag:s4] =	dma.local [hbm:s3], $0xF7A  }
0x26: {  	[smem:$0x3F94] =	sst s1;
	(tag) =	ssettag s2;
	_ =	strace s9  }
0x27: {  	s1 =	sld [smem:$0x3FA4]  }
0x28: {  	s2 =	sld [smem:$0x3FA5]  }
0x29: {  	s4 =	sld [smem:$0x3FA7]  }
0x2a: {  	p0 =	seq.s32 s5, $0x0;
	s5 =	sld [smem:$0x3FA8]  }
0x2b: {  	s6 =	sld [smem:$0x3FA9]  }
0x2c: {  	s7 =	sld [smem:$0x3FAA]  }
0x2d: {  	s3 =	simm.s32 $0x108;
	s8 =	sld [smem:$0x3FAB]  }
0x2e: {  	s3 =	simm.s32 @!p0 $0x1082;
	s9 =	sld [smem:$0x3FAC]  }
0x2f: {  	lr =	sadd.s32 s0, s3;
	s0 =	sld [smem:$0x3FA3]  }
0x30: {  	s3 =	sld [smem:$0x3FA6]  }
0x31: {  	[smem:$0x3FAF] =	sst s10  }
0x32: {  	s10 =	sld [smem:$0x3FAD];
	_ =	sdelay $0x3  }
0x33: {  	p0 =	seq.s32 s10, $0x1;
	s10 =	sld [smem:$0x3FAF];
	_ =	sdelay $0x3  }
0x34: {  	[smem:$0x3FAF] =	sst s10  }
0x35: {  	s10 =	sld [smem:$0x3FAE];
	_ =	sdelay $0x3  }
0x36: {  	p1 =	seq.s32 s10, $0x1;
	s10 =	sld [smem:$0x3FAF];
	_ =	sdelay $0x3  }
0x37: {  	[smem:$0x3FAF] =	sst s10  }
0x38: {  	s10 =	sld [smem:$0x3FB0]  }
0x39: {  	_ = 	snop;
	(pc) =	sbr.ind lr, $3  }
0x3a: {  	_ = 	snop  }
0x3b: {  	_ = 	snop  }
0x3c: {  	p2 =	seq.s32 s10, $0x1;
	s10 =	sld [smem:$0x3FAF]  }
0x3d: {  	_ =	shalt  }
0x3e: {  	_ =	shalt  }
0x3f: {  	_ =	shalt  }
0x40: {  	_ =	shalt  }
0x41: {  	_ =	shalt  }
0x42: {  	_ =	shalt  }
0x43: {  	_ =	shalt  }
0x44: {  	_ =	shalt  }
0x45: {  	_ =	shalt  }
0x46: {  	_ =	shalt  }
0x47: {  	_ =	shalt  }
0x48: {  	_ =	shalt  }
0x49: {  	_ =	shalt  }
0x4a: {  	_ =	shalt  }
0x4b: {  	_ =	shalt  }
0x4c: {  	_ =	shalt  }
0x4d: {  	_ =	shalt  }
0x4e: {  	_ =	shalt  }
0x4f: {  	_ =	shalt  }
0x50: {  	_ =	shalt  }
0x51: {  	_ =	shalt  }
0x52: {  	_ =	shalt  }
0x53: {  	_ =	shalt  }
0x54: {  	_ =	shalt  }
0x55: {  	_ =	shalt  }
0x56: {  	_ =	shalt  }
0x57: {  	_ =	shalt  }
0x58: {  	_ =	shalt  }
0x59: {  	_ =	shalt  }
0x5a: {  	_ =	shalt  }
0x5b: {  	_ =	shalt  }
0x5c: {  	_ =	shalt  }
0x5d: {  	_ =	shalt  }
0x5e: {  	_ =	shalt  }
0x5f: {  	_ =	shalt  }
0x60: {  	_ =	shalt  }
0x61: {  	_ =	shalt  }
0x62: {  	_ =	shalt  }
0x63: {  	_ =	shalt  }
0x64: {  	_ =	shalt  }
0x65: {  	_ =	shalt  }
0x66: {  	_ =	shalt  }
0x67: {  	_ =	shalt  }
0x68: {  	_ =	shalt  }
0x69: {  	_ =	shalt  }
0x6a: {  	_ =	shalt  }
0x6b: {  	_ =	shalt  }
0x6c: {  	_ =	shalt  }
0x6d: {  	_ =	shalt  }
0x6e: {  	_ =	shalt  }
0x6f: {  	_ =	shalt  }
0x70: {  	_ =	shalt  }
0x71: {  	_ =	shalt  }
0x72: {  	_ =	shalt  }
0x73: {  	_ =	shalt  }
0x74: {  	_ =	shalt  }
0x75: {  	_ =	shalt  }
0x76: {  	_ =	shalt  }
0x77: {  	_ =	shalt  }
0x78: {  	_ =	shalt  }
0x79: {  	_ =	shalt  }
0x7a: {  	_ =	shalt  }
0x7b: {  	_ =	shalt  }
0x7c: {  	_ =	shalt  }
0x7d: {  	_ =	shalt  }
0x7e: {  	_ =	shalt  }
0x7f: {  	_ =	shalt  }
0x80: {  	_ =	shalt  }
0x81: {  	_ =	shalt  }
0x82: {  	_ =	shalt  }
0x83: {  	_ =	shalt  }
0x84: {  	_ =	shalt  }
0x85: {  	_ =	shalt  }
0x86: {  	_ =	shalt  }
0x87: {  	_ =	shalt  }
.Lfunc_end0:
.L_simem_size_0:
called_computation_lowered:
.L_overlay_start_0:
0x88: {  	s2 =	sld [smem:$0x3FD9]  }
0x89: {  	s3 =	sld [smem:$0x3FFE];
	_ =	sdelay $0x1  }
0x8a: {  	s1 =	srdreg.scid  }
0x8b: {  	s0 =	sand.u32 $0x1, s1  }
0x8c: {  	s16 =	sshll.u32 s0, $0xA;
	s2 =	sadd.s32 s3, s2  }
0x8d: {  	s2 =	sadd.s32 s2, s16  }
0x8e: {  	[smem:$0x3FBB] =	sst s2  }
0x8f: {  	_ = 	snop  }
0x90: {  	(tm) =	ssettm $0x1  }
0x91: {  	s17 =	sld [smem:$0x3FFB];
	_ =	sdelay $0x3  }
0x92: {  	_ =	strace s17  }
0x93: {  	s2 =	sld [smem:$0x3FFC];
	_ =	sdelay $0x3  }
0x94: {  	_ =	strace s2  }
0x95: {  	s2 =	sld [smem:$0x3FFD];
	_ =	sdelay $0x3  }
0x96: {  	_ =	strace s2  }
0x97: {  	_ =	strace $0x8FFFFFFF  }
0x98: {  	s18 =	sld [smem:$0x3FDB];
	_ =	sdelay $0x1  }
0x99: {  	s19 =	simm.s32 $_scs_section_size  }
0x9a: {  	s4 =	simm.s32 $_size__tile_overlayer_lowered;
	s5 =	simm.s32 $_tile_overlayer_lowered  }
0x9b: {  	s22 =	simm.s32 $0x1BFF;
	s21 =	sshll.u32 s5, $0x1;
	s2 =	sadd.s32 s19, s18  }
0x9c: {  	s6 =	simm.s32 $0x0;
	s20 =	sshll.u32 s4, $0x1;
	s4 =	sadd.s32 s21, s2  }
0x9d: {  	[timem:s6], [sflag:s22] =	dma.local [hbm:s4], s20  }
0x9e: {  	_ =	swait.ge [sflag:s22], s20  }
0x9f: {  	s3 =	ssub.s32 $0x0, s20;
	[sflag:s22] =	ssyncset.done $0x0  }
0xa0: {  	[sflag:s22] =	ssyncadd.s32 s3;
	_ =	sdelay $0x1  }
0xa1: {  	s23 =	simm.s32 $0x1B8B  }
0xa2: {  	_ =	swait.ge [sflag:s23], $0x1  }
0xa3: {  	[sflag:s23] =	ssyncset.done $0x0  }
0xa4: {  	s25 =	simm.s32 $0x1B8E;
	s24 =	sld [smem:$0x3FFE];
	[sflag:s23] =	ssyncadd.s32 $0xFFFFFFFF  }
0xa5: {  	s26 =	simm.s32 $execute0_lowered;
	[smem:$0x3FD2] =	sst s25  }
0xa6: {  	s4 =	sshll.u32 s26, $0x1;
	_ =	strace $0x80000049;
	[dreg:$0x1] =	wrdreg $0xFFFFFFFF  }
0xa7: {  	s28 =	simm.s32 $_size_execute0_lowered;
	s2 =	sadd.s32 s2, s4;
	[dreg:$0x0] =	wrdreg $0x0  }
0xa8: {  	s4 =	sshll.u32 s28, $0x1;
	[dreg:$0x2] =	wrdreg s2  }
0xa9: {  	[dreg:$0x3] =	wrdreg s4  }
0xaa: {  	[dreg:$0x4] =	wrdreg $0xC0  }
0xab: {  	_ =	task [dreg:s6], $0x5FFFF  }
0xac: {  	[dreg:$0x1] =	wrdreg $0xFFFFFFFF  }
0xad: {  	[dreg:$0x0] =	wrdreg $0x60  }
0xae: {  	[dreg:$0x2] =	wrdreg s24  }
0xaf: {  	[dreg:$0x3] =	wrdreg $0x101000  }
0xb0: {  	[dreg:$0x4] =	wrdreg $0x9  }
0xb1: {  	_ =	task.clear_ibuf [dreg:s6], $0x5FFFF;
	_ =	strace $0x90000049  }
0xb2: {  	s29 =	simm.s32 $0x9;
	_ =	strace $0x8000004B  }
0xb3: {  	_ =	swait.ge [sflag:s29], $0x1  }
0xb4: {  	[sflag:s29] =	ssyncadd.s32 $0xFFFFFFFF  }
0xb5: {  	_ =	strace $0x9000004B  }
0xb6: {  	_ =	sfence  }
0xb7: {  	s30 =	sld [smem:$0x0];
	_ =	sdelay $0x2  }
0xb8: {  	s31 =	sshll.u32 s1, $0xD;
	s1 =	sshrl.u32 s1, $0x2  }
0xb9: {  	s3 =	sand.u32 $0x4000, s31;
	s1 =	sadd.s32 s1, s30  }
0xba: {  	s0 =	sor.u32 s3, s0;
	s1 =	sshll.u32 s1, $0x11  }
0xbb: {  	s0 =	sor.u32 s1, s0  }
0xbc: {  	s0 =	sadd.s32 $0x8F2B, s0  }
0xbd: {  	[sflag:s0] =	ssyncadd.remote.s32 $0x1  }
0xbe: {  	_ =	sfence.sel $0xFFFF  }
0xbf: {  	[dreg:$0x0] =	wrdreg $0xFFFFFFFF;
	(pc) =	sbr.abs _section_cstart, $3  }
0xc0: {  	[dreg:$0x1] =	wrdreg $0xFFFFFFFF  }
0xc1: {  	_ =	task.clear_ibuf [dreg:s6], $0x2FFFF;
	_ =	strace $0x9FFFFFFF  }
0xc2: {  	(tm) =	ssettm $0x7FFFFFFF  }
0xc3: {  	_ =	shalt  }
tec
execute0_lowered:
.L_overlay_start_1:
0x0: {  	(tag) =	ssettag $0x1  }
0x1: {  	s1 =	rddreg [dreg:$0x0]  }
0x2: {  	s0 =	srdreg.scid;
	s2 =	rddreg [dreg:$0x1]  }
0x3: {  	s13 =	stileid.u32;
	s4 =	simm.s32 $0x0;
	s17 =	simm.s32 $0x9  }
0x4: {  	s19 =	simm.s32 $0xCD00;
	s20 =	simm.s32 $0x7D;
	s21 =	simm.s32 $0x5000  }
0x5: {  	s28 =	simm.s32 $0xADC0;
	s29 =	simm.s32 $0x1;
	s30 =	simm.s32 $0x2  }
0x6: {  	s31 =	simm.s32 $0x3;
	s18 =	simm.s32 $0x5;
	s14 =	simm.s32 $0x4F80  }
0x7: {  	s15 =	simm.s32 $0x0;
	s0 =	sand.u32 $0x1, s0;
	[smem:$0x7FF] =	sst s4  }
0x8: {  	s4 =	sadd.s32 $0x3200, s1;
	s5 =	sadd.s32 $0x49000, s1;
	s6 =	smul.u32 $0x27000, s13  }
0x9: {  	s7 =	sadd.s32 $0x70A00, s1;
	s11 =	smul.u32 $0x270, s13;
	p0 =	sne.s32 s13, $0xF  }
0xa: {  	s3 =	sshll.u32 s0, $0x4;
	_ =	strace $0x8000004A;
	s12 =	smul.u32 $0x2710, s0  }
0xb: {  	s8 =	ssub.s32 $0x2, s0;
	s0 =	smul.u32 $0x9C400, s0;
	s3 =	sor.u32 s13, s3  }
0xc: {  	s9 =	sshrl.u32 s8, $0x1;
	s6 =	sshrl.u32 s6, $0x2;
	s13 =	simm.s32 $0x4F00  }
0xd: {  	s3 =	smul.u32 $0x500, s3;
	s8 =	ssub.s32 s8, s9;
	s6 =	sadd.s32 s6, s2  }
0xe: {  	s24 =	sadd.s32 s11, s12;
	s0 =	sshrl.u32 s0, $0x3;
	s11 =	sadd.s32 $0x9C000, s2  }
0xf: {  	s9 =	sadd.s32 $0x3400, s6;
	s26 =	smax.u32 s8, $0x1;
	s3 =	sadd.s32 s3, s1  }
0x10: {  	[dreg:$0x9] =	wrdreg s26;
	s23 =	sadd.s32 $0x5CA00, s3;
	s3 =	sadd.s32 $0x66A00, s3  }
0x11: {  	s10 =	sadd.s32 $0x6800, s6;
	[dreg:$0x4] =	wrdreg s3;
	s3 =	sshll.u32 s24, $0x3  }
0x12: {  	s0 =	sadd.s32 $0x13800, s0;
	[dreg:$0x3] =	wrdreg s23;
	s25 =	sadd.s32 s7, s3  }
0x13: {  	s1 =	sadd.s32 $0x97C00, s1;
	s7 =	sadd.s32 s7, s0;
	[dreg:$0x5] =	wrdreg s25  }
0x14: {  	s26 =	simm.s32 $0x4E00;
	s3 =	sadd.s32 s1, s3;
	[dreg:$0x6] =	wrdreg s7  }
0x15: {  	s23 =	simm.s32 $0x6F40;
	s0 =	sadd.s32 s1, s0;
	[dreg:$0x7] =	wrdreg s3  }
0x16: {  	s1 =	simm.s32 $0x6;
	[dreg:$0x8] =	wrdreg s0;
	s25 =	simm.s32 $0x8E80  }
0x17: {  	v0 =	vimm.f32 $0.0e+00;
	s0 =	simm.s32 $0x4;
	s3 =	simm.s32 $0x7;
	s7 =	simm.s32 $0x8  }
.LBB2_1:
0x18: {  	s16 =	simm.s32 $0x100;
	s8 =	simm.s32 $0x0  }
.LBB2_2:
0x19: {  	p1 =	sne.s32 s16, $0xCF00;
	[tilespmem:s8+$0xCD30] =	vst v0;
	s22 =	smov.u32 s16;
	s16 =	sadd.s32 $0x100, s16  }
.Ltmp0:
0x1a: {  	[tilespmem:s8+$0xCD20] =	vst v0;
	(pc) =	sbr.rel @p1 .LBB2_2-.Ltmp0, $3  }
0x1b: {  	[tilespmem:s8+$0xCD00] =	vst v0  }
0x1c: {  	[tilespmem:s8+$0xCD10] =	vst v0;
	_ =	sdelay $0x1  }
0x1d: {  	s8 =	sshra.s32 s22, $0x2  }
0x1e: {  	[tilespmem:s8+$0xCD30] =	vst v0  }
0x1f: {  	[tilespmem:s8+$0xCD20] =	vst v0  }
0x20: {  	[tilespmem:s8+$0xCD00] =	vst v0  }
0x21: {  	[tilespmem:s8+$0xCD10] =	vst v0;
	s22 =	simm.s32 $0x0;
	s12 =	rddreg [dreg:$0x3]  }
0x22: {  	[tilespmem:s22], [sflag:$0x9] =	stream.linear.gather [hbm4b:s12+s22], $0x2800, $0x38;
	[tilespmem:$0x19D40] =	vst v63  }
0x23: {  	_ =	swait.ge [sflag:s17], $0x2800  }
0x24: {  	[sflag:s17] =	ssyncset.done $0x0  }
0x25: {  	s16 =	simm.s32 $0x2800;
	s24 =	rddreg [dreg:$0x4];
	[sflag:s17] =	ssyncadd.s32 $0xFFFFD800  }
0x26: {  	[tilespmem:s16], [sflag:$0x9] =	stream.linear.gather [hbm4b:s24+s22], $0x2800, $0x38;
	[tilespmem:$0x19D40] =	vst v63  }
0x27: {  	_ =	swait.ge [sflag:s17], $0x2800  }
0x28: {  	[sflag:s17] =	ssyncset.done $0x0  }
0x29: {  	[sflag:s17] =	ssyncadd.s32 $0xFFFFD800  }
0x2a: {  	[spmem:s6] =	stream.linear.scatter [tilespmem:s19], [sflag:$0x9], $0x3400, $0x38;
	[tilespmem:$0x19D40] =	vst v63  }
0x2b: {  	_ =	swait.ge [sflag:s17], $0x3400  }
0x2c: {  	[sflag:s17] =	ssyncset.done $0x0  }
0x2d: {  	[sflag:s17] =	ssyncadd.s32 $0xFFFFCC00  }
0x2e: {  	[spmem:s9] =	stream.linear.scatter [tilespmem:s19], [sflag:$0x9], $0x3400, $0x38;
	[tilespmem:$0x19D40] =	vst v63  }
0x2f: {  	_ =	swait.ge [sflag:s17], $0x3400  }
0x30: {  	[sflag:s17] =	ssyncset.done $0x0  }
0x31: {  	[sflag:s17] =	ssyncadd.s32 $0xFFFFCC00  }
0x32: {  	[spmem:s10] =	stream.linear.scatter [tilespmem:s19], [sflag:$0x9], $0x3400, $0x38;
	[tilespmem:$0x19D40] =	vst v63  }
0x33: {  	_ =	swait.ge [sflag:s17], $0x3400  }
0x34: {  	[sflag:s17] =	ssyncset.done $0x0  }
0x35: {  	s8 =	simm.s32 @!p0 $0xCD00;
	[sflag:s17] =	ssyncadd.s32 $0xFFFFCC00  }
0x36: {  	[spmem:s11] =	stream.linear.scatter @!p0 [tilespmem:s8], [sflag:$0x9], $0x400, $0x38;
	[tilespmem:$0x19D40] =	vst v63  }
0x37: {  	s8 =	simm.s32 @!p0 $0x9  }
0x38: {  	_ =	swait.ge @!p0 [sflag:s8], $0x400  }
0x39: {  	[sflag:s8] =	ssyncset.done @!p0 $0x0  }
0x3a: {  	[sflag:s8] =	ssyncadd.s32 @!p0 $0xFFFFFC00  }
0x3b: {  	s16 =	simm.s32 $0x0;
	[bflag:$0x0] =	sbarrier.arrive $0xFFFF  }
0x3c: {  	[tilespmem:s21], [sflag:$0x1] =	stream.indirect.gather [hbm4b:s4+s20], $0x40, s16, s20, $0xb8;
	[tilespmem:$0x19D40] =	vst v63  }
0x3d: {  	s22 =	simm.s32 $0x80  }
0x3e: {  	[tilespmem:s23], [sflag:$0x2] =	stream.indirect.gather [hbm4b:s4+s20], $0x40, s22, s20, $0xb8;
	[tilespmem:$0x19D40] =	vst v63  }
0x3f: {  	s24 =	simm.s32 $0x100  }
0x40: {  	[tilespmem:s25], [sflag:$0x3] =	stream.indirect.gather [hbm4b:s4+s20], $0x40, s24, s20, $0xb8;
	[tilespmem:$0x19D40] =	vst v63  }
0x41: {  	s12 =	simm.s32 $0x180  }
0x42: {  	[tilespmem:s28], [sflag:$0x4] =	stream.indirect.gather [hbm4b:s4+s20], $0x40, s12, s20, $0xb8;
	[tilespmem:$0x19D40] =	vst v63  }
0x43: {  	_ =	swait.ge [sflag:s29], $0x1F40  }
0x44: {  	[sflag:s29] =	ssyncset.done $0x0  }
0x45: {  	s16 =	simm.s32 $0x2800;
	[sflag:s29] =	ssyncadd.s32 $0xFFFFE0C0  }
0x46: {  	[spmem:s2] =	stream.indirect.scatter.add.f32 [tilespmem:s21], [sflag:$0x5], $0x40, s16, s20, $0xb8;
	[tilespmem:$0x19D40] =	vst v63  }
0x47: {  	_ =	swait.ge [sflag:s30], $0x1F40  }
0x48: {  	[sflag:s30] =	ssyncset.done $0x0  }
0x49: {  	s22 =	simm.s32 $0x2880;
	[sflag:s30] =	ssyncadd.s32 $0xFFFFE0C0  }
0x4a: {  	[spmem:s2] =	stream.indirect.scatter.add.f32 [tilespmem:s23], [sflag:$0x6], $0x40, s22, s20, $0xb8;
	[tilespmem:$0x19D40] =	vst v63  }
0x4b: {  	_ =	swait.ge [sflag:s31], $0x1F40  }
0x4c: {  	[sflag:s31] =	ssyncset.done $0x0  }
0x4d: {  	s24 =	simm.s32 $0x2900;
	[sflag:s31] =	ssyncadd.s32 $0xFFFFE0C0  }
0x4e: {  	[spmem:s2] =	stream.indirect.scatter.add.f32 [tilespmem:s25], [sflag:$0x7], $0x40, s24, s20, $0xb8;
	[tilespmem:$0x19D40] =	vst v63  }
0x4f: {  	_ =	swait.ge [sflag:s0], $0x1F40  }
0x50: {  	[sflag:s0] =	ssyncset.done $0x0  }
0x51: {  	s12 =	simm.s32 $0x2980;
	[sflag:s0] =	ssyncadd.s32 $0xFFFFE0C0  }
0x52: {  	[spmem:s2] =	stream.indirect.scatter.add.f32 [tilespmem:s28], [sflag:$0x8], $0x40, s12, s20, $0xb8;
	[tilespmem:$0x19D40] =	vst v63  }
0x53: {  	_ =	swait.ge [sflag:s18], $0x1F40  }
0x54: {  	[sflag:s18] =	ssyncset.done $0x0  }
0x55: {  	s16 =	simm.s32 $0x200;
	[sflag:s18] =	ssyncadd.s32 $0xFFFFE0C0  }
0x56: {  	[tilespmem:s21], [sflag:$0x1] =	stream.indirect.gather [hbm4b:s4+s20], $0x40, s16, s20, $0xb8;
	[tilespmem:$0x19D40] =	vst v63  }
0x57: {  	_ =	swait.ge [sflag:s1], $0x1F40  }
0x58: {  	[sflag:s1] =	ssyncset.done $0x0  }
0x59: {  	s22 =	simm.s32 $0x280;
	[sflag:s1] =	ssyncadd.s32 $0xFFFFE0C0  }
0x5a: {  	[tilespmem:s23], [sflag:$0x2] =	stream.indirect.gather [hbm4b:s4+s20], $0x40, s22, s20, $0xb8;
	[tilespmem:$0x19D40] =	vst v63  }
0x5b: {  	_ =	swait.ge [sflag:s3], $0x1F40  }
0x5c: {  	[sflag:s3] =	ssyncset.done $0x0  }
0x5d: {  	s24 =	simm.s32 $0x300;
	[sflag:s3] =	ssyncadd.s32 $0xFFFFE0C0  }
0x5e: {  	[tilespmem:s25], [sflag:$0x3] =	stream.indirect.gather [hbm4b:s4+s20], $0x40, s24, s20, $0xb8;
	[tilespmem:$0x19D40] =	vst v63  }
0x5f: {  	_ =	swait.ge [sflag:s7], $0x1F40  }
0x60: {  	[sflag:s7] =	ssyncset.done $0x0  }
0x61: {  	s8 =	simm.s32 $0x380;
	s16 =	simm.s32 $0x800;
	[sflag:s7] =	ssyncadd.s32 $0xFFFFE0C0  }
.LBB2_4:
0x62: {  	[tilespmem:s28], [sflag:$0x4] =	stream.indirect.gather [hbm4b:s4+s20], $0x40, s8, s20, $0xb8;
	[tilespmem:$0x19D40] =	vst v63  }
0x63: {  	s8 =	smov.u32 s16  }
0x64: {  	p1 =	sne.s32 s16, $0x9000;
	s16 =	sadd.s32 $0x800, s16;
	_ =	swait.ge [sflag:s29], $0x1F40  }
0x65: {  	s22 =	sshra.s32 s8, $0x2;
	[sflag:s29] =	ssyncset.done $0x0  }
0x66: {  	s8 =	sadd.s32 $0x2800, s22;
	[sflag:s29] =	ssyncadd.s32 $0xFFFFE0C0  }
0x67: {  	[spmem:s2] =	stream.indirect.scatter.add.f32 [tilespmem:s21], [sflag:$0x5], $0x40, s8, s20, $0xb8;
	[tilespmem:$0x19D40] =	vst v63  }
0x68: {  	_ =	swait.ge [sflag:s30], $0x1F40  }
0x69: {  	[sflag:s30] =	ssyncset.done $0x0  }
0x6a: {  	s8 =	sadd.s32 $0x2880, s22;
	[sflag:s30] =	ssyncadd.s32 $0xFFFFE0C0  }
0x6b: {  	[spmem:s2] =	stream.indirect.scatter.add.f32 [tilespmem:s23], [sflag:$0x6], $0x40, s8, s20, $0xb8;
	[tilespmem:$0x19D40] =	vst v63  }
0x6c: {  	_ =	swait.ge [sflag:s31], $0x1F40  }
0x6d: {  	[sflag:s31] =	ssyncset.done $0x0  }
0x6e: {  	s8 =	sadd.s32 $0x2900, s22;
	[sflag:s31] =	ssyncadd.s32 $0xFFFFE0C0  }
0x6f: {  	[spmem:s2] =	stream.indirect.scatter.add.f32 [tilespmem:s25], [sflag:$0x7], $0x40, s8, s20, $0xb8;
	[tilespmem:$0x19D40] =	vst v63  }
0x70: {  	_ =	swait.ge [sflag:s0], $0x1F40  }
0x71: {  	[sflag:s0] =	ssyncset.done $0x0  }
0x72: {  	s8 =	sadd.s32 $0x2980, s22;
	[sflag:s0] =	ssyncadd.s32 $0xFFFFE0C0  }
0x73: {  	[spmem:s2] =	stream.indirect.scatter.add.f32 [tilespmem:s28], [sflag:$0x8], $0x40, s8, s20, $0xb8;
	[tilespmem:$0x19D40] =	vst v63  }
0x74: {  	_ =	swait.ge [sflag:s18], $0x1F40  }
0x75: {  	[sflag:s18] =	ssyncset.done $0x0  }
0x76: {  	s8 =	sadd.s32 $0x200, s22;
	[sflag:s18] =	ssyncadd.s32 $0xFFFFE0C0  }
0x77: {  	[tilespmem:s21], [sflag:$0x1] =	stream.indirect.gather [hbm4b:s4+s20], $0x40, s8, s20, $0xb8;
	[tilespmem:$0x19D40] =	vst v63  }
0x78: {  	_ =	swait.ge [sflag:s1], $0x1F40  }
0x79: {  	[sflag:s1] =	ssyncset.done $0x0  }
0x7a: {  	s8 =	sadd.s32 $0x280, s22;
	[sflag:s1] =	ssyncadd.s32 $0xFFFFE0C0  }
0x7b: {  	[tilespmem:s23], [sflag:$0x2] =	stream.indirect.gather [hbm4b:s4+s20], $0x40, s8, s20, $0xb8;
	[tilespmem:$0x19D40] =	vst v63  }
0x7c: {  	_ =	swait.ge [sflag:s3], $0x1F40  }
0x7d: {  	[sflag:s3] =	ssyncset.done $0x0  }
.Ltmp1:
0x7e: {  	s8 =	sadd.s32 $0x300, s22;
	[sflag:s3] =	ssyncadd.s32 $0xFFFFE0C0;
	(pc) =	sbr.rel @p1 .LBB2_4-.Ltmp1, $4  }
0x7f: {  	[tilespmem:s25], [sflag:$0x3] =	stream.indirect.gather [hbm4b:s4+s20], $0x40, s8, s20, $0xb8;
	[tilespmem:$0x19D40] =	vst v63  }
0x80: {  	_ =	swait.ge [sflag:s7], $0x1F40  }
0x81: {  	[sflag:s7] =	ssyncset.done $0x0  }
0x82: {  	s8 =	sadd.s32 $0x380, s22;
	[sflag:s7] =	ssyncadd.s32 $0xFFFFE0C0  }
0x83: {  	[tilespmem:s28], [sflag:$0x4] =	stream.indirect.gather [hbm4b:s4+s20], $0x40, s8, s20, $0xb8;
	[tilespmem:$0x19D40] =	vst v63  }
0x84: {  	_ =	swait.ge [sflag:s29], $0x1F40  }
0x85: {  	[sflag:s29] =	ssyncset.done $0x0  }
0x86: {  	[sflag:s29] =	ssyncadd.s32 $0xFFFFE0C0  }
0x87: {  	[spmem:s2] =	stream.indirect.scatter.add.f32 [tilespmem:s21], [sflag:$0x5], $0x40, s26, s20, $0xb8;
	[tilespmem:$0x19D40] =	vst v63  }
0x88: {  	_ =	swait.ge [sflag:s30], $0x1F40  }
0x89: {  	[sflag:s30] =	ssyncset.done $0x0  }
0x8a: {  	s16 =	simm.s32 $0x4E80;
	[sflag:s30] =	ssyncadd.s32 $0xFFFFE0C0  }
0x8b: {  	[spmem:s2] =	stream.indirect.scatter.add.f32 [tilespmem:s23], [sflag:$0x6], $0x40, s16, s20, $0xb8;
	[tilespmem:$0x19D40] =	vst v63  }
0x8c: {  	_ =	swait.ge [sflag:s31], $0x1F40  }
0x8d: {  	[sflag:s31] =	ssyncset.done $0x0  }
0x8e: {  	[sflag:s31] =	ssyncadd.s32 $0xFFFFE0C0  }
0x8f: {  	[spmem:s2] =	stream.indirect.scatter.add.f32 [tilespmem:s25], [sflag:$0x7], $0x40, s13, s20, $0xb8;
	[tilespmem:$0x19D40] =	vst v63  }
0x90: {  	_ =	swait.ge [sflag:s0], $0x1F40  }
0x91: {  	[sflag:s0] =	ssyncset.done $0x0  }
0x92: {  	[sflag:s0] =	ssyncadd.s32 $0xFFFFE0C0  }
0x93: {  	[spmem:s2] =	stream.indirect.scatter.add.f32 [tilespmem:s28], [sflag:$0x8], $0x40, s14, s20, $0xb8;
	[tilespmem:$0x19D40] =	vst v63  }
0x94: {  	_ =	swait.ge [sflag:s18], $0x1F40  }
0x95: {  	[sflag:s18] =	ssyncset.done $0x0  }
0x96: {  	[sflag:s18] =	ssyncadd.s32 $0xFFFFE0C0  }
0x97: {  	_ =	swait.ge [sflag:s1], $0x1F40  }
0x98: {  	[sflag:s1] =	ssyncset.done $0x0  }
0x99: {  	[sflag:s1] =	ssyncadd.s32 $0xFFFFE0C0  }
0x9a: {  	_ =	swait.ge [sflag:s3], $0x1F40  }
0x9b: {  	[sflag:s3] =	ssyncset.done $0x0  }
0x9c: {  	[sflag:s3] =	ssyncadd.s32 $0xFFFFE0C0  }
0x9d: {  	_ =	swait.ge [sflag:s7], $0x1F40  }
0x9e: {  	[sflag:s7] =	ssyncset.done $0x0  }
0x9f: {  	s22 =	stileid.u32;
	[sflag:s7] =	ssyncadd.s32 $0xFFFFE0C0  }
0xa0: {  	s8 =	sshll.u32 s22, $0x6;
	[bflag:$0x0] =	sbarrier.arrive $0xFFFF  }
0xa1: {  	s22 =	sshrl.u32 s6, $0x3;
	s16 =	sor.u32 $0x1C09, s8;
	s24 =	rddreg [dreg:$0x5]  }
0xa2: {  	[hbm:s24], [sflag:s16] =	dma.local [spmem:s22], $0x1380  }
0xa3: {  	_ =	swait.ge [sflag:s17], $0x1380  }
0xa4: {  	[sflag:s17] =	ssyncset.done $0x0  }
0xa5: {  	s24 =	sshrl.u32 @!p0 s11, $0x3;
	s8 =	rddreg [dreg:$0x6];
	[sflag:s17] =	ssyncadd.s32 $0xFFFFEC80  }
0xa6: {  	[hbm:s8], [sflag:s16] =	dma.local @!p0 [spmem:s24], $0x80  }
0xa7: {  	s8 =	simm.s32 @!p0 $0x9  }
0xa8: {  	_ =	swait.ge @!p0 [sflag:s8], $0x80  }
0xa9: {  	[sflag:s8] =	ssyncset.done @!p0 $0x0  }
0xaa: {  	[sflag:s8] =	ssyncadd.s32 @!p0 $0xFFFFFF80  }
0xab: {  	[spmem:s6] =	stream.linear.scatter [tilespmem:s19], [sflag:$0x9], $0x3400, $0x38;
	[tilespmem:$0x19D40] =	vst v63  }
0xac: {  	_ =	swait.ge [sflag:s17], $0x3400  }
0xad: {  	[sflag:s17] =	ssyncset.done $0x0  }
0xae: {  	[sflag:s17] =	ssyncadd.s32 $0xFFFFCC00  }
0xaf: {  	[spmem:s9] =	stream.linear.scatter [tilespmem:s19], [sflag:$0x9], $0x3400, $0x38;
	[tilespmem:$0x19D40] =	vst v63  }
0xb0: {  	_ =	swait.ge [sflag:s17], $0x3400  }
0xb1: {  	[sflag:s17] =	ssyncset.done $0x0  }
0xb2: {  	[sflag:s17] =	ssyncadd.s32 $0xFFFFCC00  }
0xb3: {  	[spmem:s10] =	stream.linear.scatter [tilespmem:s19], [sflag:$0x9], $0x3400, $0x38;
	[tilespmem:$0x19D40] =	vst v63  }
0xb4: {  	_ =	swait.ge [sflag:s17], $0x3400  }
0xb5: {  	[sflag:s17] =	ssyncset.done $0x0  }
0xb6: {  	s26 =	simm.s32 @!p0 $0xCD00;
	[sflag:s17] =	ssyncadd.s32 $0xFFFFCC00  }
0xb7: {  	[spmem:s11] =	stream.linear.scatter @!p0 [tilespmem:s26], [sflag:$0x9], $0x400, $0x38;
	[tilespmem:$0x19D40] =	vst v63  }
0xb8: {  	_ =	swait.ge @!p0 [sflag:s8], $0x400  }
0xb9: {  	[sflag:s8] =	ssyncset.done @!p0 $0x0  }
0xba: {  	[sflag:s8] =	ssyncadd.s32 @!p0 $0xFFFFFC00  }
0xbb: {  	s26 =	simm.s32 $0x0;
	[bflag:$0x0] =	sbarrier.arrive $0xFFFF  }
0xbc: {  	[tilespmem:s21], [sflag:$0x1] =	stream.indirect.gather [hbm4b:s5+s20], $0x40, s26, s20, $0xb8;
	[tilespmem:$0x19D40] =	vst v63  }
0xbd: {  	s12 =	simm.s32 $0x80  }
0xbe: {  	[tilespmem:s23], [sflag:$0x2] =	stream.indirect.gather [hbm4b:s5+s20], $0x40, s12, s20, $0xb8;
	[tilespmem:$0x19D40] =	vst v63  }
0xbf: {  	s26 =	simm.s32 $0x100  }
0xc0: {  	[tilespmem:s25], [sflag:$0x3] =	stream.indirect.gather [hbm4b:s5+s20], $0x40, s26, s20, $0xb8;
	[tilespmem:$0x19D40] =	vst v63  }
0xc1: {  	s12 =	simm.s32 $0x180  }
0xc2: {  	[tilespmem:s28], [sflag:$0x4] =	stream.indirect.gather [hbm4b:s5+s20], $0x40, s12, s20, $0xb8;
	[tilespmem:$0x19D40] =	vst v63  }
0xc3: {  	_ =	swait.ge [sflag:s29], $0x1F40  }
0xc4: {  	[sflag:s29] =	ssyncset.done $0x0  }
0xc5: {  	s26 =	simm.s32 $0x2800;
	[sflag:s29] =	ssyncadd.s32 $0xFFFFE0C0  }
0xc6: {  	[spmem:s2] =	stream.indirect.scatter.add.f32 [tilespmem:s21], [sflag:$0x5], $0x40, s26, s20, $0xb8;
	[tilespmem:$0x19D40] =	vst v63  }
0xc7: {  	_ =	swait.ge [sflag:s30], $0x1F40  }
0xc8: {  	[sflag:s30] =	ssyncset.done $0x0  }
0xc9: {  	s12 =	simm.s32 $0x2880;
	[sflag:s30] =	ssyncadd.s32 $0xFFFFE0C0  }
0xca: {  	[spmem:s2] =	stream.indirect.scatter.add.f32 [tilespmem:s23], [sflag:$0x6], $0x40, s12, s20, $0xb8;
	[tilespmem:$0x19D40] =	vst v63  }
0xcb: {  	_ =	swait.ge [sflag:s31], $0x1F40  }
0xcc: {  	[sflag:s31] =	ssyncset.done $0x0  }
0xcd: {  	s26 =	simm.s32 $0x2900;
	[sflag:s31] =	ssyncadd.s32 $0xFFFFE0C0  }
0xce: {  	[spmem:s2] =	stream.indirect.scatter.add.f32 [tilespmem:s25], [sflag:$0x7], $0x40, s26, s20, $0xb8;
	[tilespmem:$0x19D40] =	vst v63  }
0xcf: {  	_ =	swait.ge [sflag:s0], $0x1F40  }
0xd0: {  	[sflag:s0] =	ssyncset.done $0x0  }
0xd1: {  	s12 =	simm.s32 $0x2980;
	[sflag:s0] =	ssyncadd.s32 $0xFFFFE0C0  }
0xd2: {  	[spmem:s2] =	stream.indirect.scatter.add.f32 [tilespmem:s28], [sflag:$0x8], $0x40, s12, s20, $0xb8;
	[tilespmem:$0x19D40] =	vst v63  }
0xd3: {  	_ =	swait.ge [sflag:s18], $0x1F40  }
0xd4: {  	[sflag:s18] =	ssyncset.done $0x0  }
0xd5: {  	s26 =	simm.s32 $0x200;
	[sflag:s18] =	ssyncadd.s32 $0xFFFFE0C0  }
0xd6: {  	[tilespmem:s21], [sflag:$0x1] =	stream.indirect.gather [hbm4b:s5+s20], $0x40, s26, s20, $0xb8;
	[tilespmem:$0x19D40] =	vst v63  }
0xd7: {  	_ =	swait.ge [sflag:s1], $0x1F40  }
0xd8: {  	[sflag:s1] =	ssyncset.done $0x0  }
0xd9: {  	s12 =	simm.s32 $0x280;
	[sflag:s1] =	ssyncadd.s32 $0xFFFFE0C0  }
0xda: {  	[tilespmem:s23], [sflag:$0x2] =	stream.indirect.gather [hbm4b:s5+s20], $0x40, s12, s20, $0xb8;
	[tilespmem:$0x19D40] =	vst v63  }
0xdb: {  	_ =	swait.ge [sflag:s3], $0x1F40  }
0xdc: {  	[sflag:s3] =	ssyncset.done $0x0  }
0xdd: {  	s26 =	simm.s32 $0x300;
	[sflag:s3] =	ssyncadd.s32 $0xFFFFE0C0  }
0xde: {  	[tilespmem:s25], [sflag:$0x3] =	stream.indirect.gather [hbm4b:s5+s20], $0x40, s26, s20, $0xb8;
	[tilespmem:$0x19D40] =	vst v63  }
0xdf: {  	_ =	swait.ge [sflag:s7], $0x1F40  }
0xe0: {  	[sflag:s7] =	ssyncset.done $0x0  }
0xe1: {  	s8 =	simm.s32 $0x380;
	s26 =	simm.s32 $0x800;
	[sflag:s7] =	ssyncadd.s32 $0xFFFFE0C0  }
.LBB2_6:
0xe2: {  	[tilespmem:s28], [sflag:$0x4] =	stream.indirect.gather [hbm4b:s5+s20], $0x40, s8, s20, $0xb8;
	[tilespmem:$0x19D40] =	vst v63  }
0xe3: {  	s8 =	smov.u32 s26  }
0xe4: {  	p1 =	sne.s32 s26, $0x9000;
	s26 =	sadd.s32 $0x800, s26;
	_ =	swait.ge [sflag:s29], $0x1F40  }
0xe5: {  	s8 =	sshra.s32 s8, $0x2;
	[sflag:s29] =	ssyncset.done $0x0  }
0xe6: {  	s12 =	sadd.s32 $0x2800, s8;
	[sflag:s29] =	ssyncadd.s32 $0xFFFFE0C0  }
0xe7: {  	[spmem:s2] =	stream.indirect.scatter.add.f32 [tilespmem:s21], [sflag:$0x5], $0x40, s12, s20, $0xb8;
	[tilespmem:$0x19D40] =	vst v63  }
0xe8: {  	_ =	swait.ge [sflag:s30], $0x1F40  }
0xe9: {  	[sflag:s30] =	ssyncset.done $0x0  }
0xea: {  	s12 =	sadd.s32 $0x2880, s8;
	[sflag:s30] =	ssyncadd.s32 $0xFFFFE0C0  }
0xeb: {  	[spmem:s2] =	stream.indirect.scatter.add.f32 [tilespmem:s23], [sflag:$0x6], $0x40, s12, s20, $0xb8;
	[tilespmem:$0x19D40] =	vst v63  }
0xec: {  	_ =	swait.ge [sflag:s31], $0x1F40  }
0xed: {  	[sflag:s31] =	ssyncset.done $0x0  }
0xee: {  	s12 =	sadd.s32 $0x2900, s8;
	[sflag:s31] =	ssyncadd.s32 $0xFFFFE0C0  }
0xef: {  	[spmem:s2] =	stream.indirect.scatter.add.f32 [tilespmem:s25], [sflag:$0x7], $0x40, s12, s20, $0xb8;
	[tilespmem:$0x19D40] =	vst v63  }
0xf0: {  	_ =	swait.ge [sflag:s0], $0x1F40  }
0xf1: {  	[sflag:s0] =	ssyncset.done $0x0  }
0xf2: {  	s12 =	sadd.s32 $0x2980, s8;
	[sflag:s0] =	ssyncadd.s32 $0xFFFFE0C0  }
0xf3: {  	[spmem:s2] =	stream.indirect.scatter.add.f32 [tilespmem:s28], [sflag:$0x8], $0x40, s12, s20, $0xb8;
	[tilespmem:$0x19D40] =	vst v63  }
0xf4: {  	_ =	swait.ge [sflag:s18], $0x1F40  }
0xf5: {  	[sflag:s18] =	ssyncset.done $0x0  }
0xf6: {  	s12 =	sadd.s32 $0x200, s8;
	[sflag:s18] =	ssyncadd.s32 $0xFFFFE0C0  }
0xf7: {  	[tilespmem:s21], [sflag:$0x1] =	stream.indirect.gather [hbm4b:s5+s20], $0x40, s12, s20, $0xb8;
	[tilespmem:$0x19D40] =	vst v63  }
0xf8: {  	_ =	swait.ge [sflag:s1], $0x1F40  }
0xf9: {  	[sflag:s1] =	ssyncset.done $0x0  }
0xfa: {  	s12 =	sadd.s32 $0x280, s8;
	[sflag:s1] =	ssyncadd.s32 $0xFFFFE0C0  }
0xfb: {  	[tilespmem:s23], [sflag:$0x2] =	stream.indirect.gather [hbm4b:s5+s20], $0x40, s12, s20, $0xb8;
	[tilespmem:$0x19D40] =	vst v63  }
0xfc: {  	_ =	swait.ge [sflag:s3], $0x1F40  }
0xfd: {  	[sflag:s3] =	ssyncset.done $0x0  }
.Ltmp2:
0xfe: {  	s12 =	sadd.s32 $0x300, s8;
	[sflag:s3] =	ssyncadd.s32 $0xFFFFE0C0;
	(pc) =	sbr.rel @p1 .LBB2_6-.Ltmp2, $4  }
0xff: {  	[tilespmem:s25], [sflag:$0x3] =	stream.indirect.gather [hbm4b:s5+s20], $0x40, s12, s20, $0xb8;
	[tilespmem:$0x19D40] =	vst v63  }
0x100: {  	_ =	swait.ge [sflag:s7], $0x1F40  }
0x101: {  	[sflag:s7] =	ssyncset.done $0x0  }
0x102: {  	s8 =	sadd.s32 $0x380, s8;
	[sflag:s7] =	ssyncadd.s32 $0xFFFFE0C0  }
0x103: {  	[tilespmem:s28], [sflag:$0x4] =	stream.indirect.gather [hbm4b:s5+s20], $0x40, s8, s20, $0xb8;
	[tilespmem:$0x19D40] =	vst v63  }
0x104: {  	_ =	swait.ge [sflag:s29], $0x1F40  }
0x105: {  	[sflag:s29] =	ssyncset.done $0x0  }
0x106: {  	s26 =	simm.s32 $0x4E00;
	[sflag:s29] =	ssyncadd.s32 $0xFFFFE0C0  }
0x107: {  	[spmem:s2] =	stream.indirect.scatter.add.f32 [tilespmem:s21], [sflag:$0x5], $0x40, s26, s20, $0xb8;
	[tilespmem:$0x19D40] =	vst v63  }
0x108: {  	_ =	swait.ge [sflag:s30], $0x1F40  }
0x109: {  	[sflag:s30] =	ssyncset.done $0x0  }
0x10a: {  	s12 =	simm.s32 $0x4E80;
	[sflag:s30] =	ssyncadd.s32 $0xFFFFE0C0  }
0x10b: {  	[spmem:s2] =	stream.indirect.scatter.add.f32 [tilespmem:s23], [sflag:$0x6], $0x40, s12, s20, $0xb8;
	[tilespmem:$0x19D40] =	vst v63  }
0x10c: {  	_ =	swait.ge [sflag:s31], $0x1F40  }
0x10d: {  	[sflag:s31] =	ssyncset.done $0x0  }
0x10e: {  	[sflag:s31] =	ssyncadd.s32 $0xFFFFE0C0  }
0x10f: {  	[spmem:s2] =	stream.indirect.scatter.add.f32 [tilespmem:s25], [sflag:$0x7], $0x40, s13, s20, $0xb8;
	[tilespmem:$0x19D40] =	vst v63  }
0x110: {  	_ =	swait.ge [sflag:s0], $0x1F40  }
0x111: {  	[sflag:s0] =	ssyncset.done $0x0  }
0x112: {  	[sflag:s0] =	ssyncadd.s32 $0xFFFFE0C0  }
0x113: {  	[spmem:s2] =	stream.indirect.scatter.add.f32 [tilespmem:s28], [sflag:$0x8], $0x40, s14, s20, $0xb8;
	[tilespmem:$0x19D40] =	vst v63  }
0x114: {  	_ =	swait.ge [sflag:s18], $0x1F40  }
0x115: {  	[sflag:s18] =	ssyncset.done $0x0  }
0x116: {  	[sflag:s18] =	ssyncadd.s32 $0xFFFFE0C0  }
0x117: {  	_ =	swait.ge [sflag:s1], $0x1F40  }
0x118: {  	[sflag:s1] =	ssyncset.done $0x0  }
0x119: {  	[sflag:s1] =	ssyncadd.s32 $0xFFFFE0C0  }
0x11a: {  	_ =	swait.ge [sflag:s3], $0x1F40  }
0x11b: {  	[sflag:s3] =	ssyncset.done $0x0  }
0x11c: {  	[sflag:s3] =	ssyncadd.s32 $0xFFFFE0C0  }
0x11d: {  	_ =	swait.ge [sflag:s7], $0x1F40  }
0x11e: {  	[sflag:s7] =	ssyncset.done $0x0  }
0x11f: {  	[sflag:s7] =	ssyncadd.s32 $0xFFFFE0C0  }
0x120: {  	[bflag:$0x0] =	sbarrier.arrive $0xFFFF  }
0x121: {  	s12 =	rddreg [dreg:$0x7]  }
0x122: {  	[hbm:s12], [sflag:s16] =	dma.local [spmem:s22], $0x1380  }
0x123: {  	_ =	swait.ge [sflag:s17], $0x1380  }
0x124: {  	[sflag:s17] =	ssyncset.done $0x0  }
0x125: {  	s8 =	rddreg [dreg:$0x8];
	[sflag:s17] =	ssyncadd.s32 $0xFFFFEC80  }
0x126: {  	[hbm:s8], [sflag:s16] =	dma.local @!p0 [spmem:s24], $0x80  }
0x127: {  	s8 =	simm.s32 @!p0 $0x9  }
0x128: {  	_ =	swait.ge @!p0 [sflag:s8], $0x80  }
0x129: {  	s15 =	sadd.s32 $0x1, s15;
	s12 =	rddreg [dreg:$0x9]  }
0x12a: {  	p1 =	sne.s32 s15, s12  }
.Ltmp3:
0x12b: {  	_ = 	snop;
	(pc) =	sbr.rel @p1 .LBB2_1-.Ltmp3, $3  }
0x12c: {  	_ =	sdelay $0x1  }
0x12d: {  	[sflag:s8] =	ssyncset.done @!p0 $0x0  }
0x12e: {  	[sflag:s8] =	ssyncadd.s32 @!p0 $0xFFFFFF80  }
0x12f: {  	_ =	sfence.sel $0x180000  }
0x130: {  	[bflag:$0x0] =	sbarrier.arrive $0xFFFF  }
0x131: {  	_ =	strace $0x9000004A  }
0x132: {  	s0 =	stileid.u32;
	[bflag:$0x2] =	sbarrier.arrive $0xFFFF  }
0x133: {  	p0 =	sne.s32 s0, $0x0;
	s0 =	rddreg [dreg:$0x2]  }
0x134: {  	s0 =	sadd.s32 @!p0 $0x100000, s0  }
0x135: {  	[sflag:s0] =	ssyncadd.tile.s32 @!p0 $0x1;
	_ =	shalt  }
.Lfunc_end2:
_tile_overlayer_lowered:
.L_overlay_start_2:
0x136: {  	(tag) =	ssettag $0x2  }
0x137: {  	s0 =	rddreg [dreg:$0x0];
	s2 =	stileid.u32  }
0x138: {  	s1 =	rddreg [dreg:$0x1];
	p0 =	sne.s32 s2, $0x0  }
0x139: {  	s3 =	rddreg [dreg:$0x2];
	[bflag:$0x3] =	sbarrier.arrive $0xFFFF;
	s2 =	simm.s32 @!p0 $0x1C09  }
0x13a: {  	[timem:s3], [sflag:s2] =	dma.local @!p0 [hbm:s0], s1  }
0x13b: {  	s0 =	simm.s32 @!p0 $0x9  }
0x13c: {  	_ =	swait.ge @!p0 [sflag:s0], s1  }
0x13d: {  	s1 =	ssub.s32 @!p0 $0x0, s1;
	[sflag:s0] =	ssyncset.done @!p0 $0x0  }
0x13e: {  	[sflag:s0] =	ssyncadd.s32 @!p0 s1  }
0x13f: {  	[bflag:$0x3] =	sbarrier.arrive $0xFFFF  }
0x140: {  	_ =	shalt  }

// kernel: kernel.6.cloned.1.call-start
scs
__scs_entry_jumppad:
0x0: {  	(pc) =	sbr.rel $0x88, $3  }
0x1: {  	(tag) =	ssettag $0x0;
	lr =	simm.s32 $0x1  }
0x2: {  	[smem:$0x3F94] =	sst lr;
	_ =	strace $0xD0000000  }
0x3: {  	_ = 	snop  }
0x4: {  	_ = 	snop  }
0x5: {  	_ = 	snop  }
0x6: {  	_ = 	snop  }
0x7: {  	_ = 	snop  }
__scs_overlays_trampoline_lowered:
0x8: {  	[smem:$0x3FA3] =	sst s0  }
0x9: {  	[smem:$0x3FA4] =	sst s1  }
0xa: {  	[smem:$0x3FA5] =	sst s2  }
0xb: {  	[smem:$0x3FA6] =	sst s3  }
0xc: {  	[smem:$0x3FA7] =	sst s4  }
0xd: {  	[smem:$0x3FA8] =	sst s5  }
0xe: {  	[smem:$0x3FA9] =	sst s6  }
0xf: {  	[smem:$0x3FAA] =	sst s7  }
0x10: {  	[smem:$0x3FAB] =	sst s8  }
0x11: {  	[smem:$0x3FAC] =	sst s9;
	s0 =	simm.s32 @!p0 $0x0  }
0x12: {  	s1 =	sld [smem:$0x3F92];
	s0 =	simm.s32 @p0 $0x1  }
0x13: {  	[smem:$0x3FAD] =	sst s0;
	s0 =	simm.s32 @!p1 $0x0  }
0x14: {  	s2 =	sld [smem:$0x3F91];
	s0 =	simm.s32 @p1 $0x1  }
0x15: {  	[smem:$0x3FAE] =	sst s0;
	s0 =	simm.s32 @!p2 $0x0  }
0x16: {  	s3 =	sld [smem:$0x3FDB];
	s0 =	simm.s32 @p2 $0x1  }
0x17: {  	s4 =	simm.s32 $0x1BF5;
	[smem:$0x3FB0] =	sst s0  }
0x18: {  	s0 =	sld [smem:$0x3F93];
	_ =	swait.ge [sflag:s4], $0x0  }
0x19: {  	s7 =	sld [smem:$0x3F94]  }
0x1a: {  	s8 =	sadd.s32 $0xFFFFE003, lr  }
0x1b: {  	s9 =	sadd.s32 $0xFFFFFEF7, lr;
	s5 =	simm.s32 $0xFFFFFFFF;
	p2 =	slt.u32 s8, $0xFFFFF086  }
0x1c: {  	p1 =	slt.u32 s9, $0xF7A;
	s5 =	simm.s32 @!p2 $0x0  }
0x1d: {  	s5 =	simm.s32 @p1 $0x1;
	p0 =	seq.s32 s7, s2  }
0x1e: {  	s7 =	smul.u32 @!p0 $0xF7A, s2;
	p2 =	seq.s32 @!p0 s5, $0x0  }
0x1f: {  	s9 =	smul.u32 $0xF7A, s1;
	s8 =	simm.s32 @!p0 $0x1BF5;
	p2 =	por !p2, p0  }
0x20: {  	[sflag:s8] =	ssyncset.s32 @!p0 $0xFFFFF086;
	s6 =	sadd.s32 @!p0 s3, s7;
	s7 =	simm.s32 @!p0 $0x108  }
0x21: {  	s3 =	sadd.s32 s3, s9;
	s6 =	sadd.s32 @!p0 $0x88, s6;
	s7 =	simm.s32 @p2 $0x1082  }
0x22: {  	[simem:s7], [sflag:s8] =	dma.local @!p0 [hbm:s6], $0xF7A  }
0x23: {  	s9 =	sor.u32 $0xD0000000, s2;
	s6 =	simm.s32 $0x108;
	_ =	swait.ge @!p0 [sflag:s8], $0x0  }
0x24: {  	s3 =	sadd.s32 $0x88, s3;
	s6 =	simm.s32 @!p1 $0x1082;
	[sflag:s4] =	ssyncset.s32 $0xFFFFF086  }
0x25: {  	[simem:s6], [sflag:s4] =	dma.local [hbm:s3], $0xF7A  }
0x26: {  	[smem:$0x3F94] =	sst s1;
	(tag) =	ssettag s2;
	_ =	strace s9  }
0x27: {  	s1 =	sld [smem:$0x3FA4]  }
0x28: {  	s2 =	sld [smem:$0x3FA5]  }
0x29: {  	s4 =	sld [smem:$0x3FA7]  }
0x2a: {  	p0 =	seq.s32 s5, $0x0;
	s5 =	sld [smem:$0x3FA8]  }
0x2b: {  	s6 =	sld [smem:$0x3FA9]  }
0x2c: {  	s7 =	sld [smem:$0x3FAA]  }
0x2d: {  	s3 =	simm.s32 $0x108;
	s8 =	sld [smem:$0x3FAB]  }
0x2e: {  	s3 =	simm.s32 @!p0 $0x1082;
	s9 =	sld [smem:$0x3FAC]  }
0x2f: {  	lr =	sadd.s32 s0, s3;
	s0 =	sld [smem:$0x3FA3]  }
0x30: {  	s3 =	sld [smem:$0x3FA6]  }
0x31: {  	[smem:$0x3FAF] =	sst s10  }
0x32: {  	s10 =	sld [smem:$0x3FAD];
	_ =	sdelay $0x3  }
0x33: {  	p0 =	seq.s32 s10, $0x1;
	s10 =	sld [smem:$0x3FAF];
	_ =	sdelay $0x3  }
0x34: {  	[smem:$0x3FAF] =	sst s10  }
0x35: {  	s10 =	sld [smem:$0x3FAE];
	_ =	sdelay $0x3  }
0x36: {  	p1 =	seq.s32 s10, $0x1;
	s10 =	sld [smem:$0x3FAF];
	_ =	sdelay $0x3  }
0x37: {  	[smem:$0x3FAF] =	sst s10  }
0x38: {  	s10 =	sld [smem:$0x3FB0]  }
0x39: {  	_ = 	snop;
	(pc) =	sbr.ind lr, $3  }
0x3a: {  	_ = 	snop  }
0x3b: {  	_ = 	snop  }
0x3c: {  	p2 =	seq.s32 s10, $0x1;
	s10 =	sld [smem:$0x3FAF]  }
0x3d: {  	_ =	shalt  }
0x3e: {  	_ =	shalt  }
0x3f: {  	_ =	shalt  }
0x40: {  	_ =	shalt  }
0x41: {  	_ =	shalt  }
0x42: {  	_ =	shalt  }
0x43: {  	_ =	shalt  }
0x44: {  	_ =	shalt  }
0x45: {  	_ =	shalt  }
0x46: {  	_ =	shalt  }
0x47: {  	_ =	shalt  }
0x48: {  	_ =	shalt  }
0x49: {  	_ =	shalt  }
0x4a: {  	_ =	shalt  }
0x4b: {  	_ =	shalt  }
0x4c: {  	_ =	shalt  }
0x4d: {  	_ =	shalt  }
0x4e: {  	_ =	shalt  }
0x4f: {  	_ =	shalt  }
0x50: {  	_ =	shalt  }
0x51: {  	_ =	shalt  }
0x52: {  	_ =	shalt  }
0x53: {  	_ =	shalt  }
0x54: {  	_ =	shalt  }
0x55: {  	_ =	shalt  }
0x56: {  	_ =	shalt  }
0x57: {  	_ =	shalt  }
0x58: {  	_ =	shalt  }
0x59: {  	_ =	shalt  }
0x5a: {  	_ =	shalt  }
0x5b: {  	_ =	shalt  }
0x5c: {  	_ =	shalt  }
0x5d: {  	_ =	shalt  }
0x5e: {  	_ =	shalt  }
0x5f: {  	_ =	shalt  }
0x60: {  	_ =	shalt  }
0x61: {  	_ =	shalt  }
0x62: {  	_ =	shalt  }
0x63: {  	_ =	shalt  }
0x64: {  	_ =	shalt  }
0x65: {  	_ =	shalt  }
0x66: {  	_ =	shalt  }
0x67: {  	_ =	shalt  }
0x68: {  	_ =	shalt  }
0x69: {  	_ =	shalt  }
0x6a: {  	_ =	shalt  }
0x6b: {  	_ =	shalt  }
0x6c: {  	_ =	shalt  }
0x6d: {  	_ =	shalt  }
0x6e: {  	_ =	shalt  }
0x6f: {  	_ =	shalt  }
0x70: {  	_ =	shalt  }
0x71: {  	_ =	shalt  }
0x72: {  	_ =	shalt  }
0x73: {  	_ =	shalt  }
0x74: {  	_ =	shalt  }
0x75: {  	_ =	shalt  }
0x76: {  	_ =	shalt  }
0x77: {  	_ =	shalt  }
0x78: {  	_ =	shalt  }
0x79: {  	_ =	shalt  }
0x7a: {  	_ =	shalt  }
0x7b: {  	_ =	shalt  }
0x7c: {  	_ =	shalt  }
0x7d: {  	_ =	shalt  }
0x7e: {  	_ =	shalt  }
0x7f: {  	_ =	shalt  }
0x80: {  	_ =	shalt  }
0x81: {  	_ =	shalt  }
0x82: {  	_ =	shalt  }
0x83: {  	_ =	shalt  }
0x84: {  	_ =	shalt  }
0x85: {  	_ =	shalt  }
0x86: {  	_ =	shalt  }
0x87: {  	_ =	shalt  }
.Lfunc_end0:
.L_simem_size_0:
called_computation.1_lowered:
.L_overlay_start_0:
0x88: {  	s2 =	sld [smem:$0x3FD9]  }
0x89: {  	s3 =	sld [smem:$0x3FFE];
	_ =	sdelay $0x1  }
0x8a: {  	s1 =	srdreg.scid  }
0x8b: {  	s0 =	sand.u32 $0x1, s1  }
0x8c: {  	s16 =	sshll.u32 s0, $0xA;
	s2 =	sadd.s32 s3, s2  }
0x8d: {  	s2 =	sadd.s32 s2, s16  }
0x8e: {  	[smem:$0x3FBB] =	sst s2  }
0x8f: {  	_ = 	snop  }
0x90: {  	(tm) =	ssettm $0x1  }
0x91: {  	s17 =	sld [smem:$0x3FFB];
	_ =	sdelay $0x3  }
0x92: {  	_ =	strace s17  }
0x93: {  	s2 =	sld [smem:$0x3FFC];
	_ =	sdelay $0x3  }
0x94: {  	_ =	strace s2  }
0x95: {  	s2 =	sld [smem:$0x3FFD];
	_ =	sdelay $0x3  }
0x96: {  	_ =	strace s2  }
0x97: {  	_ =	strace $0x8FFFFFFF  }
0x98: {  	s18 =	sld [smem:$0x3FDB];
	_ =	sdelay $0x1  }
0x99: {  	s19 =	simm.s32 $_scs_section_size  }
0x9a: {  	s4 =	simm.s32 $_size__tile_overlayer_lowered;
	s5 =	simm.s32 $_tile_overlayer_lowered  }
0x9b: {  	s22 =	simm.s32 $0x1BFF;
	s21 =	sshll.u32 s5, $0x1;
	s2 =	sadd.s32 s19, s18  }
0x9c: {  	s6 =	simm.s32 $0x0;
	s20 =	sshll.u32 s4, $0x1;
	s4 =	sadd.s32 s21, s2  }
0x9d: {  	[timem:s6], [sflag:s22] =	dma.local [hbm:s4], s20  }
0x9e: {  	_ =	swait.ge [sflag:s22], s20  }
0x9f: {  	s3 =	ssub.s32 $0x0, s20;
	[sflag:s22] =	ssyncset.done $0x0  }
0xa0: {  	[sflag:s22] =	ssyncadd.s32 s3;
	_ =	sdelay $0x1  }
0xa1: {  	s23 =	simm.s32 $0x1B8B  }
0xa2: {  	_ =	swait.ge [sflag:s23], $0x1  }
0xa3: {  	[sflag:s23] =	ssyncset.done $0x0  }
0xa4: {  	s25 =	simm.s32 $0x1B8E;
	s24 =	sld [smem:$0x3FFE];
	[sflag:s23] =	ssyncadd.s32 $0xFFFFFFFF  }
0xa5: {  	s26 =	simm.s32 $execute0_lowered;
	[smem:$0x3FD2] =	sst s25  }
0xa6: {  	s4 =	sshll.u32 s26, $0x1;
	_ =	strace $0x80000046;
	[dreg:$0x1] =	wrdreg $0xFFFFFFFF  }
0xa7: {  	s28 =	simm.s32 $_size_execute0_lowered;
	s2 =	sadd.s32 s2, s4;
	[dreg:$0x0] =	wrdreg $0x0  }
0xa8: {  	s4 =	sshll.u32 s28, $0x1;
	[dreg:$0x2] =	wrdreg s2  }
0xa9: {  	[dreg:$0x3] =	wrdreg s4  }
0xaa: {  	[dreg:$0x4] =	wrdreg $0xC0  }
0xab: {  	_ =	task [dreg:s6], $0x5FFFF  }
0xac: {  	[dreg:$0x1] =	wrdreg $0xFFFFFFFF  }
0xad: {  	[dreg:$0x0] =	wrdreg $0x60  }
0xae: {  	[dreg:$0x2] =	wrdreg s24  }
0xaf: {  	[dreg:$0x3] =	wrdreg $0x9  }
0xb0: {  	_ =	task.clear_ibuf [dreg:s6], $0x4FFFF;
	_ =	strace $0x90000046  }
0xb1: {  	s29 =	simm.s32 $0x9;
	_ =	strace $0x80000048  }
0xb2: {  	_ =	swait.ge [sflag:s29], $0x1  }
0xb3: {  	[sflag:s29] =	ssyncadd.s32 $0xFFFFFFFF  }
0xb4: {  	_ =	strace $0x90000048  }
0xb5: {  	_ =	sfence  }
0xb6: {  	s30 =	sld [smem:$0x0];
	_ =	sdelay $0x2  }
0xb7: {  	s31 =	sshll.u32 s1, $0xD;
	s1 =	sshrl.u32 s1, $0x2  }
0xb8: {  	s3 =	sand.u32 $0x4000, s31;
	s1 =	sadd.s32 s1, s30  }
0xb9: {  	s0 =	sor.u32 s3, s0;
	s1 =	sshll.u32 s1, $0x11  }
0xba: {  	s0 =	sor.u32 s1, s0  }
0xbb: {  	s0 =	sadd.s32 $0x8F2B, s0  }
0xbc: {  	[sflag:s0] =	ssyncadd.remote.s32 $0x1  }
0xbd: {  	_ =	sfence.sel $0xFFFF  }
0xbe: {  	[dreg:$0x0] =	wrdreg $0xFFFFFFFF;
	(pc) =	sbr.abs _section_cstart, $3  }
0xbf: {  	[dreg:$0x1] =	wrdreg $0xFFFFFFFF  }
0xc0: {  	_ =	task.clear_ibuf [dreg:s6], $0x2FFFF;
	_ =	strace $0x9FFFFFFF  }
0xc1: {  	(tm) =	ssettm $0x7FFFFFFF  }
tec
execute0_lowered:
.L_overlay_start_1:
0x0: {  	(tag) =	ssettag $0x1  }
0x1: {  	s0 =	srdreg.scid  }
0x2: {  	s5 =	rddreg [dreg:$0x0];
	s3 =	sand.u32 $0x1, s0  }
0x3: {  	s2 =	simm.s32 $0x0;
	s0 =	stileid.u32;
	s1 =	sshll.u32 s3, $0x4  }
0x4: {  	s8 =	simm.s32 $0x80;
	s9 =	simm.s32 $0x400;
	s4 =	sor.u32 s0, s1  }
0x5: {  	s10 =	simm.s32 $0x0;
	[smem:$0x7FF] =	sst s2;
	s1 =	sshrl.u32 s4, $0x3  }
0x6: {  	s7 =	sshll.u32 s0, $0x7;
	s3 =	ssub.s32 $0x2, s3;
	s6 =	smul.u32 $0x13C00, s1  }
0x7: {  	s7 =	sand.u32 $0x380, s7;
	s31 =	sshrl.u32 s3, $0x1;
	s4 =	smul.u32 $0x4E2, s4  }
0x8: {  	s1 =	rddreg [dreg:$0x1];
	_ =	strace $0x80000047;
	s6 =	sor.u32 s7, s6  }
0x9: {  	s4 =	sadd.s32 s4, s5;
	s7 =	simm.s32 $0x1;
	s6 =	sshrl.u32 s6, $0x3  }
0xa: {  	s5 =	sadd.s32 s6, s5;
	s6 =	ssub.s32 s3, s31;
	s3 =	sadd.s32 $0x3200, s4  }
0xb: {  	v0 =	vimm.f32 $0.0e+00;
	v1 =	vimm.f32 $1.000000000e+00;
	s4 =	sadd.s32 $0xD000, s5;
	s5 =	smax.u32 s6, $0x1;
	s6 =	simm.s32 $0x2780  }
.LBB2_1:
0xc: {  	s11 =	simm.s32 $0x40;
	s12 =	simm.s32 $0x0  }
.LBB2_2:
0xd: {  	p0 =	sne.s32 s11, $0x9C00;
	[tilespmem:s12+$0x0] =	vst v0;
	s12 =	smov.u32 s11;
	s11 =	sadd.s32 $0x40, s11  }
.Ltmp0:
0xe: {  	(pc) =	sbr.rel @p0 .LBB2_2-.Ltmp0, $2  }
0xf: {  	_ =	sdelay $0x2  }
0x10: {  	s12 =	sshra.s32 s12, $0x2  }
0x11: {  	[tilespmem:s12+$0x0] =	vst v0;
	s11 =	simm.s32 $0x0  }
0x12: {  	[tilespmem:s6], [sflag:$0x1] =	stream.linear.gather [hbm4b:s3+s11], $0x2710, $0x38;
	[tilespmem:$0x4F00] =	vst v63  }
0x13: {  	_ =	swait.ge [sflag:s7], $0x2710  }
0x14: {  	[sflag:s7] =	ssyncset.done $0x0  }
0x15: {  	s12 =	simm.s32 $0x0;
	s11 =	simm.s32 $0x40;
	[sflag:s7] =	ssyncadd.s32 $0xFFFFD8F0  }
.LBB2_4:
0x16: {  	p0 =	sne.s32 s11, $0x9C00;
	v2 =	vld [tilespmem:s12+$0x2780];
	_ =	sdelay $0x3  }
.Ltmp1:
0x17: {  	(pc) =	sbr.rel @p0 .LBB2_4-.Ltmp1, $2  }
0x18: {  	_ =	sdelay $0x2  }
0x19: {  	s12 =	sshra.s32 s11, $0x2;
	s11 =	sadd.s32 $0x40, s11;
	[tilespmem:v2+s2+$0x0] =	vst.idx.add.f32.msk $0xffff, v1  }
0x1a: {  	v2 =	vld [tilespmem:s12+$0x2780];
	_ =	sdelay $0x5  }
0x1b: {  	s10 =	sadd.s32 $0x1, s10  }
0x1c: {  	p0 =	sne.s32 s10, s5  }
.Ltmp2:
0x1d: {  	[tilespmem:v2+s2+$0x0] =	vst.idx.add.f32.msk $0xffff, v1;
	(pc) =	sbr.rel @p0 .LBB2_1-.Ltmp2, $4  }
0x1e: {  	[hbm4b:s4+s8] =	stream.strided.scatter [tilespmem:s2], [sflag:$0x1], $0x2780, s9, s8, $0x38;
	[tilespmem:$0x4F00] =	vst v63  }
0x1f: {  	_ =	swait.ge [sflag:s7], $0x2780  }
0x20: {  	[sflag:s7] =	ssyncset.done $0x0  }
0x21: {  	[sflag:s7] =	ssyncadd.s32 $0xFFFFD880  }
0x22: {  	_ =	sfence.sel $0x180000  }
0x23: {  	[bflag:$0x0] =	sbarrier.arrive $0xFFFF  }
0x24: {  	p0 =	sne.s32 s0, $0x0;
	_ =	strace $0x90000047  }
0x25: {  	s0 =	sadd.s32 @!p0 $0x100000, s1;
	[bflag:$0x2] =	sbarrier.arrive $0xFFFF  }
0x26: {  	[sflag:s0] =	ssyncadd.tile.s32 @!p0 $0x1;
	_ =	shalt  }
.Lfunc_end2:
_tile_overlayer_lowered:
.L_overlay_start_2:
0x27: {  	(tag) =	ssettag $0x2  }
0x28: {  	s0 =	rddreg [dreg:$0x0];
	s2 =	stileid.u32  }
0x29: {  	s1 =	rddreg [dreg:$0x1];
	p0 =	sne.s32 s2, $0x0  }
0x2a: {  	s3 =	rddreg [dreg:$0x2];
	[bflag:$0x3] =	sbarrier.arrive $0xFFFF;
	s2 =	simm.s32 @!p0 $0x1C01  }
0x2b: {  	[timem:s3], [sflag:s2] =	dma.local @!p0 [hbm:s0], s1  }
0x2c: {  	s0 =	simm.s32 @!p0 $0x1  }
0x2d: {  	_ =	swait.ge @!p0 [sflag:s0], s1  }
0x2e: {  	s1 =	ssub.s32 @!p0 $0x0, s1;
	[sflag:s0] =	ssyncset.done @!p0 $0x0  }
0x2f: {  	[sflag:s0] =	ssyncadd.s32 @!p0 s1  }
0x30: {  	[bflag:$0x3] =	sbarrier.arrive $0xFFFF  }
0x31: {  	_ =	shalt  }

</sc_bundles>
